<compile_context>
chip_gen: v7x
topology: tpu7x:2x2x1
jax: 0.10.2.dev20260603
libtpu: 0.0.44.dev20260713+nightly
codegen_flags: <defaults>
</compile_context>

<pallas_src>
import dataclasses
import functools
import math

import jax
import jax.numpy as jnp
from jax import lax
from jax.experimental import pallas as pl
from jax.experimental.pallas import tpu as pltpu
from jax.experimental.pallas import tpu_sc as plsc

_LANES = 16
_NUM_WORKERS = 32
_IDX_PER_DMA = 128


def _table_body(n_pad, enc_ref, lt_ref, w_ref, b_ref, s_ref, e_ref, v_ref,
                out_ref, idx_ref):
    B, S, D = enc_ref.shape
    K = lt_ref.shape[0]
    nc = w_ref.shape[1]
    N = s_ref.shape[1]
    C = _LANES
    inv_row = B * K * S

    w = w_ref[...]
    w1 = w[0:D, :].astype(jnp.bfloat16)
    w2 = w[D:, :].astype(jnp.bfloat16)
    bias = b_ref[...]
    lenb = jnp.dot(lt_ref[...].astype(jnp.bfloat16), w2,
                   preferred_element_type=jnp.float32)

    def finish_rows(sc, rows):
        lane = lax.broadcasted_iota(jnp.int32, (rows, nc), 1)
        rowmax = jnp.max(sc, axis=1, keepdims=True)
        amax = jnp.min(jnp.where(sc == rowmax, lane, nc), axis=1,
                       keepdims=True).astype(jnp.float32)
        return jnp.concatenate(
            [sc, amax, jnp.zeros((rows, C - nc - 1), jnp.float32)], axis=1)

    blocks = []
    grp = 0
    for bi in range(B):
        e = enc_ref[bi]
        m = e
        for k in range(K):
            if k > 0:
                pad = jnp.broadcast_to(e[S - 1:S, :], (k, D))
                m = jnp.maximum(m, jnp.concatenate([e[k:, :], pad], axis=0))
            sc = (jnp.dot(m.astype(jnp.bfloat16), w1,
                          preferred_element_type=jnp.float32)
                  + lenb[k:k + 1, :]) + bias
            blocks.append(finish_rows(sc, S))
            if len(blocks) == 8:
                out_ref[pl.ds(grp * S, S), :] = jnp.concatenate(blocks, axis=1)
                blocks = []
                grp += 1

    inv = finish_rows(jnp.broadcast_to(bias, (1, nc)), 1)
    out_ref[pl.ds(grp * S, 1), :] = jnp.concatenate([inv] * 8, axis=1)

    s = s_ref[...]
    ev = e_ref[...]
    v = v_ref[...]
    kk = jnp.maximum(jnp.minimum(ev - s, K), 1) - 1
    st = jnp.maximum(jnp.minimum(s, S - 1), 0)
    bvec = lax.broadcasted_iota(jnp.int32, (B, N), 0)
    bk = bvec * K + kk
    idx = jnp.where(v, ((bk // 8) * S + st) * 8 + (bk % 8), inv_row)
    idx_ref[...] = jnp.full((B, n_pad), inv_row, jnp.int32)
    idx_ref[:, pl.ds(0, N)] = idx


def _make_gather_kernel(B, n_pad, nc):
    b_per_w = (B * n_pad) // _NUM_WORKERS
    n_dma = b_per_w // _IDX_PER_DMA
    w_per_b = _NUM_WORKERS // B
    mesh = plsc.VectorSubcoreMesh(core_axis_name="c", subcore_axis_name="s")
    cp = pltpu.CompilerParams(use_tc_tiling_on_sc=False)
    if "needs_layout_passes" in pltpu.CompilerParams.__dataclass_fields__:
        cp = dataclasses.replace(cp, needs_layout_passes=False)

    @functools.partial(
        pl.kernel, mesh=mesh,
        compiler_params=cp,
        out_type=(
            jax.ShapeDtypeStruct((B, n_pad, _LANES), jnp.float32),
            jax.ShapeDtypeStruct((B, n_pad), jnp.int32),
        ),
        scratch_types=[
            pltpu.VMEM((b_per_w,), jnp.int32),
            pltpu.VMEM((b_per_w, _LANES), jnp.float32),
            pltpu.VMEM((b_per_w,), jnp.int32),
            pltpu.SemaphoreType.DMA,
        ],
    )
    def gather_kernel(table_hbm, i_hbm, rows_hbm, preds_hbm,
                      idx_v, rows_v, preds_v, sem):
        wid = lax.axis_index("s") * 2 + lax.axis_index("c")
        bi = wid // w_per_b
        off = (wid % w_per_b) * b_per_w
        pltpu.sync_copy(i_hbm.at[bi, pl.ds(off, b_per_w)], idx_v)
        copies = [
            pltpu.async_copy(
                table_hbm.at[idx_v.at[pl.ds(j * _IDX_PER_DMA, _IDX_PER_DMA)]],
                rows_v.at[pl.ds(j * _IDX_PER_DMA, _IDX_PER_DMA)], sem)
            for j in range(n_dma)
        ]
        for c in copies:
            c.wait()

        lanes = lax.iota(jnp.int32, _LANES)
        col = jnp.full((_LANES,), nc, jnp.int32)

        @pl.loop(0, b_per_w, step=_LANES)
        def _(i):
            vals = plsc.load_gather(rows_v, [lanes + i, col])
            preds_v[pl.ds(i, _LANES)] = vals.astype(jnp.int32)

        pltpu.sync_copy(rows_v, rows_hbm.at[bi, pl.ds(off, b_per_w)])
        pltpu.sync_copy(preds_v, preds_hbm.at[bi, pl.ds(off, b_per_w)])

    return gather_kernel


def kernel(encoded, n_words, span_starts, span_ends, span_valid,
           span_len_table, W, b):
    del n_words
    B, S, D = encoded.shape
    K = span_len_table.shape[0]
    nc = W.shape[1]
    N = span_starts.shape[1]
    C = _LANES

    align = (_NUM_WORKERS * _IDX_PER_DMA) // math.gcd(B, _NUM_WORKERS * _IDX_PER_DMA)
    n_pad = ((N + align - 1) // align) * align
    n_rows = B * K * S + 8

    table_p, idx = pl.pallas_call(
        functools.partial(_table_body, n_pad),
        out_shape=(
            jax.ShapeDtypeStruct((n_rows // 8, 8 * C), jnp.float32),
            jax.ShapeDtypeStruct((B, n_pad), jnp.int32),
        ),
    )(encoded, span_len_table, W, b.reshape(1, nc),
      span_starts, span_ends, span_valid)

    table = table_p.reshape(n_rows, C)

    rows, preds_pad = _make_gather_kernel(B, n_pad, nc)(table, idx)

    scores = lax.slice(rows, (0, 0, 0), (B, N, nc))
    preds = lax.slice(preds_pad, (0, 0), (B, N))
    return scores, preds

# --- scband reference (transcript-rebuilt; emitter-appended) ---
"""Pipeline reference for scband-span-nerdecoder-89635967468118 (READ-ONLY COPY).

The authoritative reference and input builder live on the scoring server;
editing this copy changes nothing except your own understanding.
"""

import jax, jax.numpy as jnp
import numpy as np

MAX_SPAN_LEN = 10

def _get_all_span_ids(L, max_span_len=10):
    s = set()
    for i in range(L):
        for k in range(1, max_span_len + 1):
            s.add((i, min(i + k, L)))
    return sorted(s)

def setup_inputs(seed: int = 0) -> dict:
    key = jax.random.key(seed)
    B, S, D = 4, 512, 256
    n_classes = 9
    lengths = [512, 448, 384, 320]
    spans = [_get_all_span_ids(L, MAX_SPAN_LEN) for L in lengths]
    max_n = max(len(sp) for sp in spans)
    starts = np.zeros((B, max_n), np.int32)
    ends = np.zeros((B, max_n), np.int32)
    valid = np.zeros((B, max_n), bool)
    for bi, sp in enumerate(spans):
        arr = np.array(sp, dtype=np.int32)
        starts[bi, :len(sp)] = arr[:, 0]
        ends[bi, :len(sp)] = arr[:, 1]
        valid[bi, :len(sp)] = True
    k1, k2, k3 = jax.random.split(key, 3)
    encoded = jax.random.normal(k1, (B, S, D), dtype=jnp.float32)
    span_len_table = jax.random.normal(k2, (MAX_SPAN_LEN, 25), dtype=jnp.float32) * 0.02
    W = jax.random.normal(k3, (D + 25, n_classes), dtype=jnp.float32) * 0.02
    b = jnp.zeros((n_classes,), dtype=jnp.float32)
    return {
        'encoded': encoded,
        'n_words': jnp.asarray(np.array(lengths, np.int32)),
        'span_starts': jnp.asarray(starts),
        'span_ends': jnp.asarray(ends),
        'span_valid': jnp.asarray(valid),
        'span_len_table': span_len_table,
        'W': W,
        'b': b,
    }

def reference(encoded, n_words, span_starts, span_ends, span_valid, span_len_table, W, b):
    # Faithful eval-mode forward of SpanNERDecoder: for every span (start, end),
    # max-pool word encodings over [start, end), concat span-length embedding,
    # zero-pad invalid (out-of-range) span slots, then linear classifier + argmax.
    B, S, D = encoded.shape
    offs = jnp.arange(MAX_SPAN_LEN)
    pos = span_starts[:, :, None] + offs[None, None, :]            # [B, N, L]
    tok_valid = pos < span_ends[:, :, None]                         # [B, N, L]
    pos_c = jnp.minimum(pos, S - 1)
    gathered = jax.vmap(lambda e, p: e[p])(encoded, pos_c)          # [B, N, L, D]
    masked = jnp.where(tok_valid[..., None], gathered, -1e30)
    pooled = masked.max(axis=2)                                     # [B, N, D]
    pooled = jnp.where(span_valid[..., None], pooled, 0.0)
    span_len = jnp.clip(span_ends - span_starts - 1, 0, MAX_SPAN_LEN - 1)
    emb = span_len_table[span_len]                                  # [B, N, 25]
    rep = jnp.concatenate([pooled, emb], axis=-1)                   # [B, N, D+25]
    rep = jnp.where(span_valid[..., None], rep, 0.0)                # padded spans -> zero rows (as in torch zeros init)
    scores = rep @ W + b                                            # chunked linear == full linear
    preds = jnp.argmax(scores, axis=-1)
    return scores, preds

if __name__ == "__main__":
    import jax
    _d = setup_inputs()
    print(jax.jit(kernel)(*tuple(_d.values())))

</pallas_src>

<mosaic_0001>
#map = affine_map<(d0, d1) -> (0, 0)>
#map1 = affine_map<(d0, d1) -> (0, 0, 0)>
module attributes {stable_mosaic.version = 14 : i64} {
  func.func @gather_kernel(%arg0: i32, %arg1: i32, %arg2: memref<20488x16xf32, #tpu.memory_space<hbm>>, %arg3: memref<4x5120xi32, #tpu.memory_space<hbm>>, %arg4: memref<4x5120x16xf32, #tpu.memory_space<hbm>>, %arg5: memref<4x5120xi32, #tpu.memory_space<hbm>>, %arg6: memref<640xi32, #tpu.memory_space<vmem>>, %arg7: memref<640x16xf32, #tpu.memory_space<vmem>>, %arg8: memref<640xi32, #tpu.memory_space<vmem>>, %arg9: memref<!tpu.dma_semaphore, #tpu.memory_space<semaphore_mem>>) attributes {dimension_semantics = [#tpu.dimension_semantics<core_parallel>, #tpu.dimension_semantics<subcore_parallel>], iteration_bounds = array<i64: 2, 16>, scalar_prefetch = 0 : i64, scratch_operands = 4 : i64, tpu.core_type = #tpu.core_type<sc_vector_subcore>, window_params = [{transform_indices = #map}, {transform_indices = #map}, {transform_indices = #map1}, {transform_indices = #map}]} {
    %mul3A = arith.constant 2 : i32
    %mul3A_0 = arith.muli %arg1, %mul3A : i32
    %add3A = arith.addi %mul3A_0, %arg0 : i32
    %jit3A = arith.constant 8 : i32
    %div3A = arith.divsi %add3A, %jit3A : i32
    %sign3A = arith.constant 0 : i32
    %sign3A_1 = arith.cmpi sgt, %add3A, %sign3A : i32
    %sign3A_2 = arith.extui %sign3A_1 : i1 to i32
    %sign3A_3 = arith.constant 0 : i32
    %sign3A_4 = arith.cmpi slt, %add3A, %sign3A_3 : i32
    %sign3A_5 = arith.extui %sign3A_4 : i1 to i32
    %sign3A_6 = arith.subi %sign3A_2, %sign3A_5 : i32
    %sign3A_7 = arith.constant 0 : i32
    %sign3A_8 = arith.cmpi sgt, %jit3A, %sign3A_7 : i32
    %sign3A_9 = arith.extui %sign3A_8 : i1 to i32
    %sign3A_10 = arith.constant 0 : i32
    %sign3A_11 = arith.cmpi slt, %jit3A, %sign3A_10 : i32
    %sign3A_12 = arith.extui %sign3A_11 : i1 to i32
    %sign3A_13 = arith.subi %sign3A_9, %sign3A_12 : i32
    %ne3A = arith.cmpi ne, %sign3A_6, %sign3A_13 : i32
    %rem3A = arith.remsi %add3A, %jit3A : i32
    %ne3A_14 = arith.constant 0 : i32
    %ne3A_15 = arith.cmpi ne, %rem3A, %ne3A_14 : i32
    %and3A = arith.andi %ne3A, %ne3A_15 : i1
    %sub3A = arith.constant 1 : i32
    %sub3A_16 = arith.subi %div3A, %sub3A : i32
    %select_n3A = arith.select %and3A, %sub3A_16, %div3A : i32
    %jit3A_17 = arith.constant 8 : i32
    %eq3A = arith.constant 0 : i32
    %eq3A_18 = arith.cmpi eq, %jit3A_17, %eq3A : i32
    %jit3A_19 = arith.constant 1 : i32
    %select_n3A_20 = arith.select %eq3A_18, %jit3A_19, %jit3A_17 : i32
    %rem3A_21 = arith.remsi %add3A, %select_n3A_20 : i32
    %ne3A_22 = arith.constant 0 : i32
    %ne3A_23 = arith.cmpi ne, %rem3A_21, %ne3A_22 : i32
    %lt3A = arith.constant 0 : i32
    %lt3A_24 = arith.cmpi slt, %rem3A_21, %lt3A : i32
    %lt3A_25 = arith.constant 0 : i32
    %lt3A_26 = arith.cmpi slt, %select_n3A_20, %lt3A_25 : i32
    %ne3A_27 = arith.xori %lt3A_24, %lt3A_26 : i1
    %and3A_28 = arith.andi %ne3A_27, %ne3A_23 : i1
    %add3A_29 = arith.addi %rem3A_21, %select_n3A_20 : i32
    %select_n3A_30 = arith.select %and3A_28, %add3A_29, %rem3A_21 : i32
    %mul3A_31 = arith.constant 640 : i32
    %mul3A_32 = arith.muli %select_n3A_30, %mul3A_31 : i32
    "tpu.region"() ({
      %run_scoped3A = tpu.sem_alloc : memref<!tpu.dma_semaphore, #tpu.memory_space<semaphore_mem>>
      %dma_start3A_116 = tpu.memref_slice %arg3[%select_n3A, %mul3A_32] : memref<4x5120xi32, #tpu.memory_space<hbm>> -> memref<1x640xi32, #tpu.memory_space<hbm>>
      %dma_start3A_117 = tpu.memref_squeeze %dma_start3A_116 : memref<1x640xi32, #tpu.memory_space<hbm>> -> memref<640xi32, #tpu.memory_space<hbm>>
      %dma_start3A_118 = tpu.memref_slice %arg3[%select_n3A, %mul3A_32] : memref<4x5120xi32, #tpu.memory_space<hbm>> -> memref<1x640xi32, #tpu.memory_space<hbm>>
      %dma_start3A_119 = tpu.memref_squeeze %dma_start3A_118 : memref<1x640xi32, #tpu.memory_space<hbm>> -> memref<640xi32, #tpu.memory_space<hbm>>
      tpu.enqueue_dma source(%dma_start3A_119 : memref<640xi32, #tpu.memory_space<hbm>>) target(%arg6 : memref<640xi32, #tpu.memory_space<vmem>>) target_semaphore(%run_scoped3A : memref<!tpu.dma_semaphore, #tpu.memory_space<semaphore_mem>>)
      %dma_wait3A_120 = tpu.memref_slice %arg3[%select_n3A, %mul3A_32] : memref<4x5120xi32, #tpu.memory_space<hbm>> -> memref<1x640xi32, #tpu.memory_space<hbm>>
      %dma_wait3A_121 = tpu.memref_squeeze %dma_wait3A_120 : memref<1x640xi32, #tpu.memory_space<hbm>> -> memref<640xi32, #tpu.memory_space<hbm>>
      %dma_wait3A_122 = tpu.memref_slice %arg3[%select_n3A, %mul3A_32] : memref<4x5120xi32, #tpu.memory_space<hbm>> -> memref<1x640xi32, #tpu.memory_space<hbm>>
      %dma_wait3A_123 = tpu.memref_squeeze %dma_wait3A_122 : memref<1x640xi32, #tpu.memory_space<hbm>> -> memref<640xi32, #tpu.memory_space<hbm>>
      tpu.wait_dma2 semaphore(%run_scoped3A : memref<!tpu.dma_semaphore, #tpu.memory_space<semaphore_mem>>) src(%dma_wait3A_123 : memref<640xi32, #tpu.memory_space<hbm>>) dst(%arg6 : memref<640xi32, #tpu.memory_space<vmem>>)
      tpu.yield
    }) : () -> ()
    %dma_start3A = arith.constant 0 : i32
    %dma_start3A_33 = arith.constant 0 : i32
    %dma_start3A_34 = tpu.memref_slice %arg7[%dma_start3A, %dma_start3A_33] : memref<640x16xf32, #tpu.memory_space<vmem>> -> memref<128x16xf32, #tpu.memory_space<vmem>>
    %dma_start3A_35 = arith.constant 0 : i32
    %dma_start3A_36 = tpu.memref_slice %arg6[%dma_start3A_35] : memref<640xi32, #tpu.memory_space<vmem>> -> memref<128xi32, #tpu.memory_space<vmem>>
    %dma_start3A_37 = arith.constant 0 : i32
    %dma_start3A_38 = arith.constant 0 : i32
    %dma_start3A_39 = tpu.memref_slice %arg2[%dma_start3A_37, %dma_start3A_38] : memref<20488x16xf32, #tpu.memory_space<hbm>> -> memref<20488x16xf32, #tpu.memory_space<hbm>>
    tpu.enqueue_indirect_dma source(%dma_start3A_39 : memref<20488x16xf32, #tpu.memory_space<hbm>>) target(%dma_start3A_34 : memref<128x16xf32, #tpu.memory_space<vmem>>) offsets(%dma_start3A_36 : memref<128xi32, #tpu.memory_space<vmem>>) semaphore(%arg9 : memref<!tpu.dma_semaphore, #tpu.memory_space<semaphore_mem>>)
    %dma_start3A_40 = arith.constant 128 : i32
    %dma_start3A_41 = arith.constant 0 : i32
    %dma_start3A_42 = tpu.memref_slice %arg7[%dma_start3A_40, %dma_start3A_41] : memref<640x16xf32, #tpu.memory_space<vmem>> -> memref<128x16xf32, #tpu.memory_space<vmem>>
    %dma_start3A_43 = arith.constant 128 : i32
    %dma_start3A_44 = tpu.memref_slice %arg6[%dma_start3A_43] : memref<640xi32, #tpu.memory_space<vmem>> -> memref<128xi32, #tpu.memory_space<vmem>>
    %dma_start3A_45 = arith.constant 0 : i32
    %dma_start3A_46 = arith.constant 0 : i32
    %dma_start3A_47 = tpu.memref_slice %arg2[%dma_start3A_45, %dma_start3A_46] : memref<20488x16xf32, #tpu.memory_space<hbm>> -> memref<20488x16xf32, #tpu.memory_space<hbm>>
    tpu.enqueue_indirect_dma source(%dma_start3A_47 : memref<20488x16xf32, #tpu.memory_space<hbm>>) target(%dma_start3A_42 : memref<128x16xf32, #tpu.memory_space<vmem>>) offsets(%dma_start3A_44 : memref<128xi32, #tpu.memory_space<vmem>>) semaphore(%arg9 : memref<!tpu.dma_semaphore, #tpu.memory_space<semaphore_mem>>)
    %dma_start3A_48 = arith.constant 256 : i32
    %dma_start3A_49 = arith.constant 0 : i32
    %dma_start3A_50 = tpu.memref_slice %arg7[%dma_start3A_48, %dma_start3A_49] : memref<640x16xf32, #tpu.memory_space<vmem>> -> memref<128x16xf32, #tpu.memory_space<vmem>>
    %dma_start3A_51 = arith.constant 256 : i32
    %dma_start3A_52 = tpu.memref_slice %arg6[%dma_start3A_51] : memref<640xi32, #tpu.memory_space<vmem>> -> memref<128xi32, #tpu.memory_space<vmem>>
    %dma_start3A_53 = arith.constant 0 : i32
    %dma_start3A_54 = arith.constant 0 : i32
    %dma_start3A_55 = tpu.memref_slice %arg2[%dma_start3A_53, %dma_start3A_54] : memref<20488x16xf32, #tpu.memory_space<hbm>> -> memref<20488x16xf32, #tpu.memory_space<hbm>>
    tpu.enqueue_indirect_dma source(%dma_start3A_55 : memref<20488x16xf32, #tpu.memory_space<hbm>>) target(%dma_start3A_50 : memref<128x16xf32, #tpu.memory_space<vmem>>) offsets(%dma_start3A_52 : memref<128xi32, #tpu.memory_space<vmem>>) semaphore(%arg9 : memref<!tpu.dma_semaphore, #tpu.memory_space<semaphore_mem>>)
    %dma_start3A_56 = arith.constant 384 : i32
    %dma_start3A_57 = arith.constant 0 : i32
    %dma_start3A_58 = tpu.memref_slice %arg7[%dma_start3A_56, %dma_start3A_57] : memref<640x16xf32, #tpu.memory_space<vmem>> -> memref<128x16xf32, #tpu.memory_space<vmem>>
    %dma_start3A_59 = arith.constant 384 : i32
    %dma_start3A_60 = tpu.memref_slice %arg6[%dma_start3A_59] : memref<640xi32, #tpu.memory_space<vmem>> -> memref<128xi32, #tpu.memory_space<vmem>>
    %dma_start3A_61 = arith.constant 0 : i32
    %dma_start3A_62 = arith.constant 0 : i32
    %dma_start3A_63 = tpu.memref_slice %arg2[%dma_start3A_61, %dma_start3A_62] : memref<20488x16xf32, #tpu.memory_space<hbm>> -> memref<20488x16xf32, #tpu.memory_space<hbm>>
    tpu.enqueue_indirect_dma source(%dma_start3A_63 : memref<20488x16xf32, #tpu.memory_space<hbm>>) target(%dma_start3A_58 : memref<128x16xf32, #tpu.memory_space<vmem>>) offsets(%dma_start3A_60 : memref<128xi32, #tpu.memory_space<vmem>>) semaphore(%arg9 : memref<!tpu.dma_semaphore, #tpu.memory_space<semaphore_mem>>)
    %dma_start3A_64 = arith.constant 512 : i32
    %dma_start3A_65 = arith.constant 0 : i32
    %dma_start3A_66 = tpu.memref_slice %arg7[%dma_start3A_64, %dma_start3A_65] : memref<640x16xf32, #tpu.memory_space<vmem>> -> memref<128x16xf32, #tpu.memory_space<vmem>>
    %dma_start3A_67 = arith.constant 512 : i32
    %dma_start3A_68 = tpu.memref_slice %arg6[%dma_start3A_67] : memref<640xi32, #tpu.memory_space<vmem>> -> memref<128xi32, #tpu.memory_space<vmem>>
    %dma_start3A_69 = arith.constant 0 : i32
    %dma_start3A_70 = arith.constant 0 : i32
    %dma_start3A_71 = tpu.memref_slice %arg2[%dma_start3A_69, %dma_start3A_70] : memref<20488x16xf32, #tpu.memory_space<hbm>> -> memref<20488x16xf32, #tpu.memory_space<hbm>>
    tpu.enqueue_indirect_dma source(%dma_start3A_71 : memref<20488x16xf32, #tpu.memory_space<hbm>>) target(%dma_start3A_66 : memref<128x16xf32, #tpu.memory_space<vmem>>) offsets(%dma_start3A_68 : memref<128xi32, #tpu.memory_space<vmem>>) semaphore(%arg9 : memref<!tpu.dma_semaphore, #tpu.memory_space<semaphore_mem>>)
    %dma_wait3A = arith.constant 0 : i32
    %dma_wait3A_72 = arith.constant 0 : i32
    %dma_wait3A_73 = tpu.memref_slice %arg7[%dma_wait3A, %dma_wait3A_72] : memref<640x16xf32, #tpu.memory_space<vmem>> -> memref<128x16xf32, #tpu.memory_space<vmem>>
    %dma_wait3A_74 = arith.constant 0 : i32
    %dma_wait3A_75 = tpu.memref_slice %arg6[%dma_wait3A_74] : memref<640xi32, #tpu.memory_space<vmem>> -> memref<128xi32, #tpu.memory_space<vmem>>
    %dma_wait3A_76 = arith.constant 0 : i32
    %dma_wait3A_77 = arith.constant 0 : i32
    %dma_wait3A_78 = tpu.memref_slice %arg2[%dma_wait3A_76, %dma_wait3A_77] : memref<20488x16xf32, #tpu.memory_space<hbm>> -> memref<20488x16xf32, #tpu.memory_space<hbm>>
    tpu.wait_indirect_dma semaphore(%arg9 : memref<!tpu.dma_semaphore, #tpu.memory_space<semaphore_mem>>) src(%dma_wait3A_78 : memref<20488x16xf32, #tpu.memory_space<hbm>>) dst(%dma_wait3A_73 : memref<128x16xf32, #tpu.memory_space<vmem>>)
    %dma_wait3A_79 = arith.constant 128 : i32
    %dma_wait3A_80 = arith.constant 0 : i32
    %dma_wait3A_81 = tpu.memref_slice %arg7[%dma_wait3A_79, %dma_wait3A_80] : memref<640x16xf32, #tpu.memory_space<vmem>> -> memref<128x16xf32, #tpu.memory_space<vmem>>
    %dma_wait3A_82 = arith.constant 128 : i32
    %dma_wait3A_83 = tpu.memref_slice %arg6[%dma_wait3A_82] : memref<640xi32, #tpu.memory_space<vmem>> -> memref<128xi32, #tpu.memory_space<vmem>>
    %dma_wait3A_84 = arith.constant 0 : i32
    %dma_wait3A_85 = arith.constant 0 : i32
    %dma_wait3A_86 = tpu.memref_slice %arg2[%dma_wait3A_84, %dma_wait3A_85] : memref<20488x16xf32, #tpu.memory_space<hbm>> -> memref<20488x16xf32, #tpu.memory_space<hbm>>
    tpu.wait_indirect_dma semaphore(%arg9 : memref<!tpu.dma_semaphore, #tpu.memory_space<semaphore_mem>>) src(%dma_wait3A_86 : memref<20488x16xf32, #tpu.memory_space<hbm>>) dst(%dma_wait3A_81 : memref<128x16xf32, #tpu.memory_space<vmem>>)
    %dma_wait3A_87 = arith.constant 256 : i32
    %dma_wait3A_88 = arith.constant 0 : i32
    %dma_wait3A_89 = tpu.memref_slice %arg7[%dma_wait3A_87, %dma_wait3A_88] : memref<640x16xf32, #tpu.memory_space<vmem>> -> memref<128x16xf32, #tpu.memory_space<vmem>>
    %dma_wait3A_90 = arith.constant 256 : i32
    %dma_wait3A_91 = tpu.memref_slice %arg6[%dma_wait3A_90] : memref<640xi32, #tpu.memory_space<vmem>> -> memref<128xi32, #tpu.memory_space<vmem>>
    %dma_wait3A_92 = arith.constant 0 : i32
    %dma_wait3A_93 = arith.constant 0 : i32
    %dma_wait3A_94 = tpu.memref_slice %arg2[%dma_wait3A_92, %dma_wait3A_93] : memref<20488x16xf32, #tpu.memory_space<hbm>> -> memref<20488x16xf32, #tpu.memory_space<hbm>>
    tpu.wait_indirect_dma semaphore(%arg9 : memref<!tpu.dma_semaphore, #tpu.memory_space<semaphore_mem>>) src(%dma_wait3A_94 : memref<20488x16xf32, #tpu.memory_space<hbm>>) dst(%dma_wait3A_89 : memref<128x16xf32, #tpu.memory_space<vmem>>)
    %dma_wait3A_95 = arith.constant 384 : i32
    %dma_wait3A_96 = arith.constant 0 : i32
    %dma_wait3A_97 = tpu.memref_slice %arg7[%dma_wait3A_95, %dma_wait3A_96] : memref<640x16xf32, #tpu.memory_space<vmem>> -> memref<128x16xf32, #tpu.memory_space<vmem>>
    %dma_wait3A_98 = arith.constant 384 : i32
    %dma_wait3A_99 = tpu.memref_slice %arg6[%dma_wait3A_98] : memref<640xi32, #tpu.memory_space<vmem>> -> memref<128xi32, #tpu.memory_space<vmem>>
    %dma_wait3A_100 = arith.constant 0 : i32
    %dma_wait3A_101 = arith.constant 0 : i32
    %dma_wait3A_102 = tpu.memref_slice %arg2[%dma_wait3A_100, %dma_wait3A_101] : memref<20488x16xf32, #tpu.memory_space<hbm>> -> memref<20488x16xf32, #tpu.memory_space<hbm>>
    tpu.wait_indirect_dma semaphore(%arg9 : memref<!tpu.dma_semaphore, #tpu.memory_space<semaphore_mem>>) src(%dma_wait3A_102 : memref<20488x16xf32, #tpu.memory_space<hbm>>) dst(%dma_wait3A_97 : memref<128x16xf32, #tpu.memory_space<vmem>>)
    %dma_wait3A_103 = arith.constant 512 : i32
    %dma_wait3A_104 = arith.constant 0 : i32
    %dma_wait3A_105 = tpu.memref_slice %arg7[%dma_wait3A_103, %dma_wait3A_104] : memref<640x16xf32, #tpu.memory_space<vmem>> -> memref<128x16xf32, #tpu.memory_space<vmem>>
    %dma_wait3A_106 = arith.constant 512 : i32
    %dma_wait3A_107 = tpu.memref_slice %arg6[%dma_wait3A_106] : memref<640xi32, #tpu.memory_space<vmem>> -> memref<128xi32, #tpu.memory_space<vmem>>
    %dma_wait3A_108 = arith.constant 0 : i32
    %dma_wait3A_109 = arith.constant 0 : i32
    %dma_wait3A_110 = tpu.memref_slice %arg2[%dma_wait3A_108, %dma_wait3A_109] : memref<20488x16xf32, #tpu.memory_space<hbm>> -> memref<20488x16xf32, #tpu.memory_space<hbm>>
    tpu.wait_indirect_dma semaphore(%arg9 : memref<!tpu.dma_semaphore, #tpu.memory_space<semaphore_mem>>) src(%dma_wait3A_110 : memref<20488x16xf32, #tpu.memory_space<hbm>>) dst(%dma_wait3A_105 : memref<128x16xf32, #tpu.memory_space<vmem>>)
    %iota3A = tpu.iota {dimensions = array<i32: 0>} : vector<16xi32>
    %broadcast_in_dim3A = arith.constant 9 : i32
    %broadcast_in_dim3A_111 = vector.broadcast %broadcast_in_dim3A : i32 to vector<16xi32>
    %scan3A = arith.constant 0 : i32
    %scan3A_112 = arith.constant 40 : i32
    %scan3A_113 = arith.addi %scan3A, %scan3A_112 : i32
    %scan3A_114 = arith.constant 1 : i32
    scf.for %scan3A_116 = %scan3A to %scan3A_113 step %scan3A_114  : i32 {
      %mul3A_117 = arith.constant 16 : i32
      %mul3A_118 = arith.muli %scan3A_116, %mul3A_117 : i32
      %add3A_119 = arith.constant 0 : i32
      %add3A_120 = arith.addi %add3A_119, %mul3A_118 : i32
      %add3A_121 = vector.broadcast %add3A_120 : i32 to vector<16xi32>
      %add3A_122 = arith.addi %iota3A, %add3A_121 : vector<16xi32>
      %gather3A = tpu.vector_load_idx %arg7[%add3A_122, %broadcast_in_dim3A_111] : memref<640x16xf32, #tpu.memory_space<vmem>>[vector<16xi32>, vector<16xi32>], vector<16xf32>,
      %convert_element_type3A = arith.fptosi %gather3A : vector<16xf32> to vector<16xi32>
      %swap3A = arith.index_cast %add3A_120 : i32 to index
      %swap3A_123 = tpu.vector_load %arg8[%swap3A] {strides = array<i32>} : memref<640xi32, #tpu.memory_space<vmem>>, vector<16xi32>,
      tpu.vector_store %arg8[%swap3A], %convert_element_type3A {strides = array<i32>} : memref<640xi32, #tpu.memory_space<vmem>>, vector<16xi32>,
    }
    %scan3A_115 = arith.constant 40 : i32
    "tpu.region"() ({
      %run_scoped3A = tpu.sem_alloc : memref<!tpu.dma_semaphore, #tpu.memory_space<semaphore_mem>>
      %dma_start3A_116 = arith.constant 0 : i32
      %dma_start3A_117 = tpu.memref_slice %arg4[%select_n3A, %mul3A_32, %dma_start3A_116] : memref<4x5120x16xf32, #tpu.memory_space<hbm>> -> memref<1x640x16xf32, #tpu.memory_space<hbm>>
      %dma_start3A_118 = tpu.memref_squeeze %dma_start3A_117 : memref<1x640x16xf32, #tpu.memory_space<hbm>> -> memref<640x16xf32, #tpu.memory_space<hbm>>
      %dma_start3A_119 = arith.constant 0 : i32
      %dma_start3A_120 = tpu.memref_slice %arg4[%select_n3A, %mul3A_32, %dma_start3A_119] : memref<4x5120x16xf32, #tpu.memory_space<hbm>> -> memref<1x640x16xf32, #tpu.memory_space<hbm>>
      %dma_start3A_121 = tpu.memref_squeeze %dma_start3A_120 : memref<1x640x16xf32, #tpu.memory_space<hbm>> -> memref<640x16xf32, #tpu.memory_space<hbm>>
      tpu.enqueue_dma source(%arg7 : memref<640x16xf32, #tpu.memory_space<vmem>>) target(%dma_start3A_121 : memref<640x16xf32, #tpu.memory_space<hbm>>) target_semaphore(%run_scoped3A : memref<!tpu.dma_semaphore, #tpu.memory_space<semaphore_mem>>)
      %dma_wait3A_122 = arith.constant 0 : i32
      %dma_wait3A_123 = tpu.memref_slice %arg4[%select_n3A, %mul3A_32, %dma_wait3A_122] : memref<4x5120x16xf32, #tpu.memory_space<hbm>> -> memref<1x640x16xf32, #tpu.memory_space<hbm>>
      %dma_wait3A_124 = tpu.memref_squeeze %dma_wait3A_123 : memref<1x640x16xf32, #tpu.memory_space<hbm>> -> memref<640x16xf32, #tpu.memory_space<hbm>>
      %dma_wait3A_125 = arith.constant 0 : i32
      %dma_wait3A_126 = tpu.memref_slice %arg4[%select_n3A, %mul3A_32, %dma_wait3A_125] : memref<4x5120x16xf32, #tpu.memory_space<hbm>> -> memref<1x640x16xf32, #tpu.memory_space<hbm>>
      %dma_wait3A_127 = tpu.memref_squeeze %dma_wait3A_126 : memref<1x640x16xf32, #tpu.memory_space<hbm>> -> memref<640x16xf32, #tpu.memory_space<hbm>>
      tpu.wait_dma2 semaphore(%run_scoped3A : memref<!tpu.dma_semaphore, #tpu.memory_space<semaphore_mem>>) src(%arg7 : memref<640x16xf32, #tpu.memory_space<vmem>>) dst(%dma_wait3A_127 : memref<640x16xf32, #tpu.memory_space<hbm>>)
      tpu.yield
    }) : () -> ()
    "tpu.region"() ({
      %run_scoped3A = tpu.sem_alloc : memref<!tpu.dma_semaphore, #tpu.memory_space<semaphore_mem>>
      %dma_start3A_116 = tpu.memref_slice %arg5[%select_n3A, %mul3A_32] : memref<4x5120xi32, #tpu.memory_space<hbm>> -> memref<1x640xi32, #tpu.memory_space<hbm>>
      %dma_start3A_117 = tpu.memref_squeeze %dma_start3A_116 : memref<1x640xi32, #tpu.memory_space<hbm>> -> memref<640xi32, #tpu.memory_space<hbm>>
      %dma_start3A_118 = tpu.memref_slice %arg5[%select_n3A, %mul3A_32] : memref<4x5120xi32, #tpu.memory_space<hbm>> -> memref<1x640xi32, #tpu.memory_space<hbm>>
      %dma_start3A_119 = tpu.memref_squeeze %dma_start3A_118 : memref<1x640xi32, #tpu.memory_space<hbm>> -> memref<640xi32, #tpu.memory_space<hbm>>
      tpu.enqueue_dma source(%arg8 : memref<640xi32, #tpu.memory_space<vmem>>) target(%dma_start3A_119 : memref<640xi32, #tpu.memory_space<hbm>>) target_semaphore(%run_scoped3A : memref<!tpu.dma_semaphore, #tpu.memory_space<semaphore_mem>>)
      %dma_wait3A_120 = tpu.memref_slice %arg5[%select_n3A, %mul3A_32] : memref<4x5120xi32, #tpu.memory_space<hbm>> -> memref<1x640xi32, #tpu.memory_space<hbm>>
      %dma_wait3A_121 = tpu.memref_squeeze %dma_wait3A_120 : memref<1x640xi32, #tpu.memory_space<hbm>> -> memref<640xi32, #tpu.memory_space<hbm>>
      %dma_wait3A_122 = tpu.memref_slice %arg5[%select_n3A, %mul3A_32] : memref<4x5120xi32, #tpu.memory_space<hbm>> -> memref<1x640xi32, #tpu.memory_space<hbm>>
      %dma_wait3A_123 = tpu.memref_squeeze %dma_wait3A_122 : memref<1x640xi32, #tpu.memory_space<hbm>> -> memref<640xi32, #tpu.memory_space<hbm>>
      tpu.wait_dma2 semaphore(%run_scoped3A : memref<!tpu.dma_semaphore, #tpu.memory_space<semaphore_mem>>) src(%arg8 : memref<640xi32, #tpu.memory_space<vmem>>) dst(%dma_wait3A_123 : memref<640xi32, #tpu.memory_space<hbm>>)
      tpu.yield
    }) : () -> ()
    return
  }
}

module attributes {stable_mosaic.version = 14 : i64} {
  func.func @_table_body(%arg0: memref<4x512x256xf32, #tpu.memory_space<vmem>>, %arg1: memref<10x25xf32, #tpu.memory_space<vmem>>, %arg2: memref<281x9xf32, #tpu.memory_space<vmem>>, %arg3: memref<1x9xf32, #tpu.memory_space<vmem>>, %arg4: memref<4x5075xi32, #tpu.memory_space<vmem>>, %arg5: memref<4x5075xi32, #tpu.memory_space<vmem>>, %arg6: memref<4x5075xi32, #tpu.memory_space<vmem>>, %arg7: memref<2561x128xf32, #tpu.memory_space<vmem>>, %arg8: memref<4x5120xi32, #tpu.memory_space<vmem>>) attributes {dimension_semantics = [], scalar_prefetch = 0 : i64, scratch_operands = 0 : i64, tpu.core_type = #tpu.core_type<tc>} {
    %get3A = arith.constant 0 : index
    %get3A_0 = arith.constant 0 : index
    %get3A_1 = vector.load %arg2[%get3A, %get3A_0] : memref<281x9xf32, #tpu.memory_space<vmem>>, vector<281x9xf32>
    %slice3A = vector.extract_strided_slice %get3A_1 {offsets = [0, 0], sizes = [256, 9], strides = [1, 1]} : vector<281x9xf32> to vector<256x9xf32>
    %convert_element_type3A = arith.truncf %slice3A : vector<256x9xf32> to vector<256x9xbf16>
    %slice3A_2 = vector.extract_strided_slice %get3A_1 {offsets = [256, 0], sizes = [25, 9], strides = [1, 1]} : vector<281x9xf32> to vector<25x9xf32>
    %convert_element_type3A_3 = arith.truncf %slice3A_2 : vector<25x9xf32> to vector<25x9xbf16>
    %get3A_4 = arith.constant 0 : index
    %get3A_5 = arith.constant 0 : index
    %get3A_6 = vector.load %arg3[%get3A_4, %get3A_5] : memref<1x9xf32, #tpu.memory_space<vmem>>, vector<1x9xf32>
    %get3A_7 = arith.constant 0 : index
    %get3A_8 = arith.constant 0 : index
    %get3A_9 = vector.load %arg1[%get3A_7, %get3A_8] : memref<10x25xf32, #tpu.memory_space<vmem>>, vector<10x25xf32>
    %convert_element_type3A_10 = arith.truncf %get3A_9 : vector<10x25xf32> to vector<10x25xbf16>
    %dot_general3A = arith.constant dense<0.000000e+00> : vector<10x9xf32>
    %dot_general3A_11 = tpu.matmul %convert_element_type3A_10, %convert_element_type3A_3, %dot_general3A {dimension_numbers = #tpu.dot_dimension_numbers<[1], [0], [0], [1], [0, 0, 1, 1], [], []>, transpose_lhs_hint = false} : vector<10x25xbf16>, vector<25x9xbf16>, vector<10x9xf32> -> vector<10x9xf32>
    %get3A_12 = arith.constant 0 : index
    %get3A_13 = arith.constant 0 : index
    %get3A_14 = arith.constant 0 : index
    %get3A_15 = vector.load %arg0[%get3A_12, %get3A_13, %get3A_14] : memref<4x512x256xf32, #tpu.memory_space<vmem>>, vector<1x512x256xf32>
    %get3A_16 = vector.shape_cast %get3A_15 : vector<1x512x256xf32> to vector<512x256xf32>
    %convert_element_type3A_17 = arith.truncf %get3A_16 : vector<512x256xf32> to vector<512x256xbf16>
    %dot_general3A_18 = arith.constant dense<0.000000e+00> : vector<512x9xf32>
    %dot_general3A_19 = tpu.matmul %convert_element_type3A_17, %convert_element_type3A, %dot_general3A_18 {dimension_numbers = #tpu.dot_dimension_numbers<[1], [0], [0], [1], [0, 0, 1, 1], [], []>, transpose_lhs_hint = false} : vector<512x256xbf16>, vector<256x9xbf16>, vector<512x9xf32> -> vector<512x9xf32>
    %slice3A_20 = vector.extract_strided_slice %dot_general3A_11 {offsets = [0, 0], sizes = [1, 9], strides = [1, 1]} : vector<10x9xf32> to vector<1x9xf32>
    %add3A = vector.broadcast %slice3A_20 : vector<1x9xf32> to vector<512x9xf32>
    %add3A_21 = arith.addf %dot_general3A_19, %add3A : vector<512x9xf32>
    %add3A_22 = vector.broadcast %get3A_6 : vector<1x9xf32> to vector<512x9xf32>
    %add3A_23 = arith.addf %add3A_21, %add3A_22 : vector<512x9xf32>
    %iota3A = tpu.iota {dimensions = array<i32: 1>} : vector<512x9xi32>
    %reduce_max3A = arith.constant dense<0xFF800000> : vector<512xf32>
    %reduce_max3A_24 = vector.multi_reduction <maximumf>, %add3A_23, %reduce_max3A [1] : vector<512x9xf32> to vector<512xf32>
    %broadcast_in_dim3A = vector.shape_cast %reduce_max3A_24 : vector<512xf32> to vector<512x1xf32>
    %eq3A = vector.broadcast %broadcast_in_dim3A : vector<512x1xf32> to vector<512x9xf32>
    %eq3A_25 = arith.cmpf oeq, %add3A_23, %eq3A : vector<512x9xf32>
    %jit3A = arith.constant 9 : i32
    %broadcast_in_dim3A_26 = vector.broadcast %jit3A : i32 to vector<512x9xi32>
    %select_n3A = arith.select %eq3A_25, %iota3A, %broadcast_in_dim3A_26 : vector<512x9xi1>, vector<512x9xi32>
    %reduce_min3A = arith.constant dense<2147483647> : vector<512xi32>
    %reduce_min3A_27 = vector.multi_reduction <minsi>, %select_n3A, %reduce_min3A [1] : vector<512x9xi32> to vector<512xi32>
    %broadcast_in_dim3A_28 = vector.shape_cast %reduce_min3A_27 : vector<512xi32> to vector<512x1xi32>
    %convert_element_type3A_29 = arith.sitofp %broadcast_in_dim3A_28 : vector<512x1xi32> to vector<512x1xf32>
    %broadcast_in_dim3A_30 = arith.constant 0.000000e+00 : f32
    %broadcast_in_dim3A_31 = vector.broadcast %broadcast_in_dim3A_30 : f32 to vector<512x6xf32>
    %concatenate3A = tpu.concatenate %add3A_23, %convert_element_type3A_29, %broadcast_in_dim3A_31 in 1 : vector<512x9xf32>, vector<512x1xf32>, vector<512x6xf32> -> vector<512x16xf32>
    %slice3A_32 = vector.extract_strided_slice %get3A_16 {offsets = [511, 0], sizes = [1, 256], strides = [1, 1]} : vector<512x256xf32> to vector<1x256xf32>
    %slice3A_33 = vector.extract_strided_slice %get3A_16 {offsets = [1, 0], sizes = [511, 256], strides = [1, 1]} : vector<512x256xf32> to vector<511x256xf32>
    %concatenate3A_34 = tpu.concatenate %slice3A_33, %slice3A_32 in 0 : vector<511x256xf32>, vector<1x256xf32> -> vector<512x256xf32>
    %max3A = arith.maximumf %get3A_16, %concatenate3A_34 : vector<512x256xf32>
    %convert_element_type3A_35 = arith.truncf %max3A : vector<512x256xf32> to vector<512x256xbf16>
    %dot_general3A_36 = arith.constant dense<0.000000e+00> : vector<512x9xf32>
    %dot_general3A_37 = tpu.matmul %convert_element_type3A_35, %convert_element_type3A, %dot_general3A_36 {dimension_numbers = #tpu.dot_dimension_numbers<[1], [0], [0], [1], [0, 0, 1, 1], [], []>, transpose_lhs_hint = false} : vector<512x256xbf16>, vector<256x9xbf16>, vector<512x9xf32> -> vector<512x9xf32>
    %slice3A_38 = vector.extract_strided_slice %dot_general3A_11 {offsets = [1, 0], sizes = [1, 9], strides = [1, 1]} : vector<10x9xf32> to vector<1x9xf32>
    %add3A_39 = vector.broadcast %slice3A_38 : vector<1x9xf32> to vector<512x9xf32>
    %add3A_40 = arith.addf %dot_general3A_37, %add3A_39 : vector<512x9xf32>
    %add3A_41 = vector.broadcast %get3A_6 : vector<1x9xf32> to vector<512x9xf32>
    %add3A_42 = arith.addf %add3A_40, %add3A_41 : vector<512x9xf32>
    %iota3A_43 = tpu.iota {dimensions = array<i32: 1>} : vector<512x9xi32>
    %reduce_max3A_44 = arith.constant dense<0xFF800000> : vector<512xf32>
    %reduce_max3A_45 = vector.multi_reduction <maximumf>, %add3A_42, %reduce_max3A_44 [1] : vector<512x9xf32> to vector<512xf32>
    %broadcast_in_dim3A_46 = vector.shape_cast %reduce_max3A_45 : vector<512xf32> to vector<512x1xf32>
    %eq3A_47 = vector.broadcast %broadcast_in_dim3A_46 : vector<512x1xf32> to vector<512x9xf32>
    %eq3A_48 = arith.cmpf oeq, %add3A_42, %eq3A_47 : vector<512x9xf32>
    %jit3A_49 = arith.constant 9 : i32
    %broadcast_in_dim3A_50 = vector.broadcast %jit3A_49 : i32 to vector<512x9xi32>
    %select_n3A_51 = arith.select %eq3A_48, %iota3A_43, %broadcast_in_dim3A_50 : vector<512x9xi1>, vector<512x9xi32>
    %reduce_min3A_52 = arith.constant dense<2147483647> : vector<512xi32>
    %reduce_min3A_53 = vector.multi_reduction <minsi>, %select_n3A_51, %reduce_min3A_52 [1] : vector<512x9xi32> to vector<512xi32>
    %broadcast_in_dim3A_54 = vector.shape_cast %reduce_min3A_53 : vector<512xi32> to vector<512x1xi32>
    %convert_element_type3A_55 = arith.sitofp %broadcast_in_dim3A_54 : vector<512x1xi32> to vector<512x1xf32>
    %broadcast_in_dim3A_56 = arith.constant 0.000000e+00 : f32
    %broadcast_in_dim3A_57 = vector.broadcast %broadcast_in_dim3A_56 : f32 to vector<512x6xf32>
    %concatenate3A_58 = tpu.concatenate %add3A_42, %convert_element_type3A_55, %broadcast_in_dim3A_57 in 1 : vector<512x9xf32>, vector<512x1xf32>, vector<512x6xf32> -> vector<512x16xf32>
    %slice3A_59 = vector.extract_strided_slice %get3A_16 {offsets = [511, 0], sizes = [1, 256], strides = [1, 1]} : vector<512x256xf32> to vector<1x256xf32>
    %broadcast_in_dim3A_60 = vector.shape_cast %slice3A_59 : vector<1x256xf32> to vector<1x256xf32>
    %broadcast_in_dim3A_61 = vector.broadcast %broadcast_in_dim3A_60 : vector<1x256xf32> to vector<2x256xf32>
    %slice3A_62 = vector.extract_strided_slice %get3A_16 {offsets = [2, 0], sizes = [510, 256], strides = [1, 1]} : vector<512x256xf32> to vector<510x256xf32>
    %concatenate3A_63 = tpu.concatenate %slice3A_62, %broadcast_in_dim3A_61 in 0 : vector<510x256xf32>, vector<2x256xf32> -> vector<512x256xf32>
    %max3A_64 = arith.maximumf %max3A, %concatenate3A_63 : vector<512x256xf32>
    %convert_element_type3A_65 = arith.truncf %max3A_64 : vector<512x256xf32> to vector<512x256xbf16>
    %dot_general3A_66 = arith.constant dense<0.000000e+00> : vector<512x9xf32>
    %dot_general3A_67 = tpu.matmul %convert_element_type3A_65, %convert_element_type3A, %dot_general3A_66 {dimension_numbers = #tpu.dot_dimension_numbers<[1], [0], [0], [1], [0, 0, 1, 1], [], []>, transpose_lhs_hint = false} : vector<512x256xbf16>, vector<256x9xbf16>, vector<512x9xf32> -> vector<512x9xf32>
    %slice3A_68 = vector.extract_strided_slice %dot_general3A_11 {offsets = [2, 0], sizes = [1, 9], strides = [1, 1]} : vector<10x9xf32> to vector<1x9xf32>
    %add3A_69 = vector.broadcast %slice3A_68 : vector<1x9xf32> to vector<512x9xf32>
    %add3A_70 = arith.addf %dot_general3A_67, %add3A_69 : vector<512x9xf32>
    %add3A_71 = vector.broadcast %get3A_6 : vector<1x9xf32> to vector<512x9xf32>
    %add3A_72 = arith.addf %add3A_70, %add3A_71 : vector<512x9xf32>
    %iota3A_73 = tpu.iota {dimensions = array<i32: 1>} : vector<512x9xi32>
    %reduce_max3A_74 = arith.constant dense<0xFF800000> : vector<512xf32>
    %reduce_max3A_75 = vector.multi_reduction <maximumf>, %add3A_72, %reduce_max3A_74 [1] : vector<512x9xf32> to vector<512xf32>
    %broadcast_in_dim3A_76 = vector.shape_cast %reduce_max3A_75 : vector<512xf32> to vector<512x1xf32>
    %eq3A_77 = vector.broadcast %broadcast_in_dim3A_76 : vector<512x1xf32> to vector<512x9xf32>
    %eq3A_78 = arith.cmpf oeq, %add3A_72, %eq3A_77 : vector<512x9xf32>
    %jit3A_79 = arith.constant 9 : i32
    %broadcast_in_dim3A_80 = vector.broadcast %jit3A_79 : i32 to vector<512x9xi32>
    %select_n3A_81 = arith.select %eq3A_78, %iota3A_73, %broadcast_in_dim3A_80 : vector<512x9xi1>, vector<512x9xi32>
    %reduce_min3A_82 = arith.constant dense<2147483647> : vector<512xi32>
    %reduce_min3A_83 = vector.multi_reduction <minsi>, %select_n3A_81, %reduce_min3A_82 [1] : vector<512x9xi32> to vector<512xi32>
    %broadcast_in_dim3A_84 = vector.shape_cast %reduce_min3A_83 : vector<512xi32> to vector<512x1xi32>
    %convert_element_type3A_85 = arith.sitofp %broadcast_in_dim3A_84 : vector<512x1xi32> to vector<512x1xf32>
    %broadcast_in_dim3A_86 = arith.constant 0.000000e+00 : f32
    %broadcast_in_dim3A_87 = vector.broadcast %broadcast_in_dim3A_86 : f32 to vector<512x6xf32>
    %concatenate3A_88 = tpu.concatenate %add3A_72, %convert_element_type3A_85, %broadcast_in_dim3A_87 in 1 : vector<512x9xf32>, vector<512x1xf32>, vector<512x6xf32> -> vector<512x16xf32>
    %slice3A_89 = vector.extract_strided_slice %get3A_16 {offsets = [511, 0], sizes = [1, 256], strides = [1, 1]} : vector<512x256xf32> to vector<1x256xf32>
    %broadcast_in_dim3A_90 = vector.shape_cast %slice3A_89 : vector<1x256xf32> to vector<1x256xf32>
    %broadcast_in_dim3A_91 = vector.broadcast %broadcast_in_dim3A_90 : vector<1x256xf32> to vector<3x256xf32>
    %slice3A_92 = vector.extract_strided_slice %get3A_16 {offsets = [3, 0], sizes = [509, 256], strides = [1, 1]} : vector<512x256xf32> to vector<509x256xf32>
    %concatenate3A_93 = tpu.concatenate %slice3A_92, %broadcast_in_dim3A_91 in 0 : vector<509x256xf32>, vector<3x256xf32> -> vector<512x256xf32>
    %max3A_94 = arith.maximumf %max3A_64, %concatenate3A_93 : vector<512x256xf32>
    %convert_element_type3A_95 = arith.truncf %max3A_94 : vector<512x256xf32> to vector<512x256xbf16>
    %dot_general3A_96 = arith.constant dense<0.000000e+00> : vector<512x9xf32>
    %dot_general3A_97 = tpu.matmul %convert_element_type3A_95, %convert_element_type3A, %dot_general3A_96 {dimension_numbers = #tpu.dot_dimension_numbers<[1], [0], [0], [1], [0, 0, 1, 1], [], []>, transpose_lhs_hint = false} : vector<512x256xbf16>, vector<256x9xbf16>, vector<512x9xf32> -> vector<512x9xf32>
    %slice3A_98 = vector.extract_strided_slice %dot_general3A_11 {offsets = [3, 0], sizes = [1, 9], strides = [1, 1]} : vector<10x9xf32> to vector<1x9xf32>
    %add3A_99 = vector.broadcast %slice3A_98 : vector<1x9xf32> to vector<512x9xf32>
    %add3A_100 = arith.addf %dot_general3A_97, %add3A_99 : vector<512x9xf32>
    %add3A_101 = vector.broadcast %get3A_6 : vector<1x9xf32> to vector<512x9xf32>
    %add3A_102 = arith.addf %add3A_100, %add3A_101 : vector<512x9xf32>
    %iota3A_103 = tpu.iota {dimensions = array<i32: 1>} : vector<512x9xi32>
    %reduce_max3A_104 = arith.constant dense<0xFF800000> : vector<512xf32>
    %reduce_max3A_105 = vector.multi_reduction <maximumf>, %add3A_102, %reduce_max3A_104 [1] : vector<512x9xf32> to vector<512xf32>
    %broadcast_in_dim3A_106 = vector.shape_cast %reduce_max3A_105 : vector<512xf32> to vector<512x1xf32>
    %eq3A_107 = vector.broadcast %broadcast_in_dim3A_106 : vector<512x1xf32> to vector<512x9xf32>
    %eq3A_108 = arith.cmpf oeq, %add3A_102, %eq3A_107 : vector<512x9xf32>
    %jit3A_109 = arith.constant 9 : i32
    %broadcast_in_dim3A_110 = vector.broadcast %jit3A_109 : i32 to vector<512x9xi32>
    %select_n3A_111 = arith.select %eq3A_108, %iota3A_103, %broadcast_in_dim3A_110 : vector<512x9xi1>, vector<512x9xi32>
    %reduce_min3A_112 = arith.constant dense<2147483647> : vector<512xi32>
    %reduce_min3A_113 = vector.multi_reduction <minsi>, %select_n3A_111, %reduce_min3A_112 [1] : vector<512x9xi32> to vector<512xi32>
    %broadcast_in_dim3A_114 = vector.shape_cast %reduce_min3A_113 : vector<512xi32> to vector<512x1xi32>
    %convert_element_type3A_115 = arith.sitofp %broadcast_in_dim3A_114 : vector<512x1xi32> to vector<512x1xf32>
    %broadcast_in_dim3A_116 = arith.constant 0.000000e+00 : f32
    %broadcast_in_dim3A_117 = vector.broadcast %broadcast_in_dim3A_116 : f32 to vector<512x6xf32>
    %concatenate3A_118 = tpu.concatenate %add3A_102, %convert_element_type3A_115, %broadcast_in_dim3A_117 in 1 : vector<512x9xf32>, vector<512x1xf32>, vector<512x6xf32> -> vector<512x16xf32>
    %slice3A_119 = vector.extract_strided_slice %get3A_16 {offsets = [511, 0], sizes = [1, 256], strides = [1, 1]} : vector<512x256xf32> to vector<1x256xf32>
    %broadcast_in_dim3A_120 = vector.shape_cast %slice3A_119 : vector<1x256xf32> to vector<1x256xf32>
    %broadcast_in_dim3A_121 = vector.broadcast %broadcast_in_dim3A_120 : vector<1x256xf32> to vector<4x256xf32>
    %slice3A_122 = vector.extract_strided_slice %get3A_16 {offsets = [4, 0], sizes = [508, 256], strides = [1, 1]} : vector<512x256xf32> to vector<508x256xf32>
    %concatenate3A_123 = tpu.concatenate %slice3A_122, %broadcast_in_dim3A_121 in 0 : vector<508x256xf32>, vector<4x256xf32> -> vector<512x256xf32>
    %max3A_124 = arith.maximumf %max3A_94, %concatenate3A_123 : vector<512x256xf32>
    %convert_element_type3A_125 = arith.truncf %max3A_124 : vector<512x256xf32> to vector<512x256xbf16>
    %dot_general3A_126 = arith.constant dense<0.000000e+00> : vector<512x9xf32>
    %dot_general3A_127 = tpu.matmul %convert_element_type3A_125, %convert_element_type3A, %dot_general3A_126 {dimension_numbers = #tpu.dot_dimension_numbers<[1], [0], [0], [1], [0, 0, 1, 1], [], []>, transpose_lhs_hint = false} : vector<512x256xbf16>, vector<256x9xbf16>, vector<512x9xf32> -> vector<512x9xf32>
    %slice3A_128 = vector.extract_strided_slice %dot_general3A_11 {offsets = [4, 0], sizes = [1, 9], strides = [1, 1]} : vector<10x9xf32> to vector<1x9xf32>
    %add3A_129 = vector.broadcast %slice3A_128 : vector<1x9xf32> to vector<512x9xf32>
    %add3A_130 = arith.addf %dot_general3A_127, %add3A_129 : vector<512x9xf32>
    %add3A_131 = vector.broadcast %get3A_6 : vector<1x9xf32> to vector<512x9xf32>
    %add3A_132 = arith.addf %add3A_130, %add3A_131 : vector<512x9xf32>
    %iota3A_133 = tpu.iota {dimensions = array<i32: 1>} : vector<512x9xi32>
    %reduce_max3A_134 = arith.constant dense<0xFF800000> : vector<512xf32>
    %reduce_max3A_135 = vector.multi_reduction <maximumf>, %add3A_132, %reduce_max3A_134 [1] : vector<512x9xf32> to vector<512xf32>
    %broadcast_in_dim3A_136 = vector.shape_cast %reduce_max3A_135 : vector<512xf32> to vector<512x1xf32>
    %eq3A_137 = vector.broadcast %broadcast_in_dim3A_136 : vector<512x1xf32> to vector<512x9xf32>
    %eq3A_138 = arith.cmpf oeq, %add3A_132, %eq3A_137 : vector<512x9xf32>
    %jit3A_139 = arith.constant 9 : i32
    %broadcast_in_dim3A_140 = vector.broadcast %jit3A_139 : i32 to vector<512x9xi32>
    %select_n3A_141 = arith.select %eq3A_138, %iota3A_133, %broadcast_in_dim3A_140 : vector<512x9xi1>, vector<512x9xi32>
    %reduce_min3A_142 = arith.constant dense<2147483647> : vector<512xi32>
    %reduce_min3A_143 = vector.multi_reduction <minsi>, %select_n3A_141, %reduce_min3A_142 [1] : vector<512x9xi32> to vector<512xi32>
    %broadcast_in_dim3A_144 = vector.shape_cast %reduce_min3A_143 : vector<512xi32> to vector<512x1xi32>
    %convert_element_type3A_145 = arith.sitofp %broadcast_in_dim3A_144 : vector<512x1xi32> to vector<512x1xf32>
    %broadcast_in_dim3A_146 = arith.constant 0.000000e+00 : f32
    %broadcast_in_dim3A_147 = vector.broadcast %broadcast_in_dim3A_146 : f32 to vector<512x6xf32>
    %concatenate3A_148 = tpu.concatenate %add3A_132, %convert_element_type3A_145, %broadcast_in_dim3A_147 in 1 : vector<512x9xf32>, vector<512x1xf32>, vector<512x6xf32> -> vector<512x16xf32>
    %slice3A_149 = vector.extract_strided_slice %get3A_16 {offsets = [511, 0], sizes = [1, 256], strides = [1, 1]} : vector<512x256xf32> to vector<1x256xf32>
    %broadcast_in_dim3A_150 = vector.shape_cast %slice3A_149 : vector<1x256xf32> to vector<1x256xf32>
    %broadcast_in_dim3A_151 = vector.broadcast %broadcast_in_dim3A_150 : vector<1x256xf32> to vector<5x256xf32>
    %slice3A_152 = vector.extract_strided_slice %get3A_16 {offsets = [5, 0], sizes = [507, 256], strides = [1, 1]} : vector<512x256xf32> to vector<507x256xf32>
    %concatenate3A_153 = tpu.concatenate %slice3A_152, %broadcast_in_dim3A_151 in 0 : vector<507x256xf32>, vector<5x256xf32> -> vector<512x256xf32>
    %max3A_154 = arith.maximumf %max3A_124, %concatenate3A_153 : vector<512x256xf32>
    %convert_element_type3A_155 = arith.truncf %max3A_154 : vector<512x256xf32> to vector<512x256xbf16>
    %dot_general3A_156 = arith.constant dense<0.000000e+00> : vector<512x9xf32>
    %dot_general3A_157 = tpu.matmul %convert_element_type3A_155, %convert_element_type3A, %dot_general3A_156 {dimension_numbers = #tpu.dot_dimension_numbers<[1], [0], [0], [1], [0, 0, 1, 1], [], []>, transpose_lhs_hint = false} : vector<512x256xbf16>, vector<256x9xbf16>, vector<512x9xf32> -> vector<512x9xf32>
    %slice3A_158 = vector.extract_strided_slice %dot_general3A_11 {offsets = [5, 0], sizes = [1, 9], strides = [1, 1]} : vector<10x9xf32> to vector<1x9xf32>
    %add3A_159 = vector.broadcast %slice3A_158 : vector<1x9xf32> to vector<512x9xf32>
    %add3A_160 = arith.addf %dot_general3A_157, %add3A_159 : vector<512x9xf32>
    %add3A_161 = vector.broadcast %get3A_6 : vector<1x9xf32> to vector<512x9xf32>
    %add3A_162 = arith.addf %add3A_160, %add3A_161 : vector<512x9xf32>
    %iota3A_163 = tpu.iota {dimensions = array<i32: 1>} : vector<512x9xi32>
    %reduce_max3A_164 = arith.constant dense<0xFF800000> : vector<512xf32>
    %reduce_max3A_165 = vector.multi_reduction <maximumf>, %add3A_162, %reduce_max3A_164 [1] : vector<512x9xf32> to vector<512xf32>
    %broadcast_in_dim3A_166 = vector.shape_cast %reduce_max3A_165 : vector<512xf32> to vector<512x1xf32>
    %eq3A_167 = vector.broadcast %broadcast_in_dim3A_166 : vector<512x1xf32> to vector<512x9xf32>
    %eq3A_168 = arith.cmpf oeq, %add3A_162, %eq3A_167 : vector<512x9xf32>
    %jit3A_169 = arith.constant 9 : i32
    %broadcast_in_dim3A_170 = vector.broadcast %jit3A_169 : i32 to vector<512x9xi32>
    %select_n3A_171 = arith.select %eq3A_168, %iota3A_163, %broadcast_in_dim3A_170 : vector<512x9xi1>, vector<512x9xi32>
    %reduce_min3A_172 = arith.constant dense<2147483647> : vector<512xi32>
    %reduce_min3A_173 = vector.multi_reduction <minsi>, %select_n3A_171, %reduce_min3A_172 [1] : vector<512x9xi32> to vector<512xi32>
    %broadcast_in_dim3A_174 = vector.shape_cast %reduce_min3A_173 : vector<512xi32> to vector<512x1xi32>
    %convert_element_type3A_175 = arith.sitofp %broadcast_in_dim3A_174 : vector<512x1xi32> to vector<512x1xf32>
    %broadcast_in_dim3A_176 = arith.constant 0.000000e+00 : f32
    %broadcast_in_dim3A_177 = vector.broadcast %broadcast_in_dim3A_176 : f32 to vector<512x6xf32>
    %concatenate3A_178 = tpu.concatenate %add3A_162, %convert_element_type3A_175, %broadcast_in_dim3A_177 in 1 : vector<512x9xf32>, vector<512x1xf32>, vector<512x6xf32> -> vector<512x16xf32>
    %slice3A_179 = vector.extract_strided_slice %get3A_16 {offsets = [511, 0], sizes = [1, 256], strides = [1, 1]} : vector<512x256xf32> to vector<1x256xf32>
    %broadcast_in_dim3A_180 = vector.shape_cast %slice3A_179 : vector<1x256xf32> to vector<1x256xf32>
    %broadcast_in_dim3A_181 = vector.broadcast %broadcast_in_dim3A_180 : vector<1x256xf32> to vector<6x256xf32>
    %slice3A_182 = vector.extract_strided_slice %get3A_16 {offsets = [6, 0], sizes = [506, 256], strides = [1, 1]} : vector<512x256xf32> to vector<506x256xf32>
    %concatenate3A_183 = tpu.concatenate %slice3A_182, %broadcast_in_dim3A_181 in 0 : vector<506x256xf32>, vector<6x256xf32> -> vector<512x256xf32>
    %max3A_184 = arith.maximumf %max3A_154, %concatenate3A_183 : vector<512x256xf32>
    %convert_element_type3A_185 = arith.truncf %max3A_184 : vector<512x256xf32> to vector<512x256xbf16>
    %dot_general3A_186 = arith.constant dense<0.000000e+00> : vector<512x9xf32>
    %dot_general3A_187 = tpu.matmul %convert_element_type3A_185, %convert_element_type3A, %dot_general3A_186 {dimension_numbers = #tpu.dot_dimension_numbers<[1], [0], [0], [1], [0, 0, 1, 1], [], []>, transpose_lhs_hint = false} : vector<512x256xbf16>, vector<256x9xbf16>, vector<512x9xf32> -> vector<512x9xf32>
    %slice3A_188 = vector.extract_strided_slice %dot_general3A_11 {offsets = [6, 0], sizes = [1, 9], strides = [1, 1]} : vector<10x9xf32> to vector<1x9xf32>
    %add3A_189 = vector.broadcast %slice3A_188 : vector<1x9xf32> to vector<512x9xf32>
    %add3A_190 = arith.addf %dot_general3A_187, %add3A_189 : vector<512x9xf32>
    %add3A_191 = vector.broadcast %get3A_6 : vector<1x9xf32> to vector<512x9xf32>
    %add3A_192 = arith.addf %add3A_190, %add3A_191 : vector<512x9xf32>
    %iota3A_193 = tpu.iota {dimensions = array<i32: 1>} : vector<512x9xi32>
    %reduce_max3A_194 = arith.constant dense<0xFF800000> : vector<512xf32>
    %reduce_max3A_195 = vector.multi_reduction <maximumf>, %add3A_192, %reduce_max3A_194 [1] : vector<512x9xf32> to vector<512xf32>
    %broadcast_in_dim3A_196 = vector.shape_cast %reduce_max3A_195 : vector<512xf32> to vector<512x1xf32>
    %eq3A_197 = vector.broadcast %broadcast_in_dim3A_196 : vector<512x1xf32> to vector<512x9xf32>
    %eq3A_198 = arith.cmpf oeq, %add3A_192, %eq3A_197 : vector<512x9xf32>
    %jit3A_199 = arith.constant 9 : i32
    %broadcast_in_dim3A_200 = vector.broadcast %jit3A_199 : i32 to vector<512x9xi32>
    %select_n3A_201 = arith.select %eq3A_198, %iota3A_193, %broadcast_in_dim3A_200 : vector<512x9xi1>, vector<512x9xi32>
    %reduce_min3A_202 = arith.constant dense<2147483647> : vector<512xi32>
    %reduce_min3A_203 = vector.multi_reduction <minsi>, %select_n3A_201, %reduce_min3A_202 [1] : vector<512x9xi32> to vector<512xi32>
    %broadcast_in_dim3A_204 = vector.shape_cast %reduce_min3A_203 : vector<512xi32> to vector<512x1xi32>
    %convert_element_type3A_205 = arith.sitofp %broadcast_in_dim3A_204 : vector<512x1xi32> to vector<512x1xf32>
    %broadcast_in_dim3A_206 = arith.constant 0.000000e+00 : f32
    %broadcast_in_dim3A_207 = vector.broadcast %broadcast_in_dim3A_206 : f32 to vector<512x6xf32>
    %concatenate3A_208 = tpu.concatenate %add3A_192, %convert_element_type3A_205, %broadcast_in_dim3A_207 in 1 : vector<512x9xf32>, vector<512x1xf32>, vector<512x6xf32> -> vector<512x16xf32>
    %slice3A_209 = vector.extract_strided_slice %get3A_16 {offsets = [511, 0], sizes = [1, 256], strides = [1, 1]} : vector<512x256xf32> to vector<1x256xf32>
    %broadcast_in_dim3A_210 = vector.shape_cast %slice3A_209 : vector<1x256xf32> to vector<1x256xf32>
    %broadcast_in_dim3A_211 = vector.broadcast %broadcast_in_dim3A_210 : vector<1x256xf32> to vector<7x256xf32>
    %slice3A_212 = vector.extract_strided_slice %get3A_16 {offsets = [7, 0], sizes = [505, 256], strides = [1, 1]} : vector<512x256xf32> to vector<505x256xf32>
    %concatenate3A_213 = tpu.concatenate %slice3A_212, %broadcast_in_dim3A_211 in 0 : vector<505x256xf32>, vector<7x256xf32> -> vector<512x256xf32>
    %max3A_214 = arith.maximumf %max3A_184, %concatenate3A_213 : vector<512x256xf32>
    %convert_element_type3A_215 = arith.truncf %max3A_214 : vector<512x256xf32> to vector<512x256xbf16>
    %dot_general3A_216 = arith.constant dense<0.000000e+00> : vector<512x9xf32>
    %dot_general3A_217 = tpu.matmul %convert_element_type3A_215, %convert_element_type3A, %dot_general3A_216 {dimension_numbers = #tpu.dot_dimension_numbers<[1], [0], [0], [1], [0, 0, 1, 1], [], []>, transpose_lhs_hint = false} : vector<512x256xbf16>, vector<256x9xbf16>, vector<512x9xf32> -> vector<512x9xf32>
    %slice3A_218 = vector.extract_strided_slice %dot_general3A_11 {offsets = [7, 0], sizes = [1, 9], strides = [1, 1]} : vector<10x9xf32> to vector<1x9xf32>
    %add3A_219 = vector.broadcast %slice3A_218 : vector<1x9xf32> to vector<512x9xf32>
    %add3A_220 = arith.addf %dot_general3A_217, %add3A_219 : vector<512x9xf32>
    %add3A_221 = vector.broadcast %get3A_6 : vector<1x9xf32> to vector<512x9xf32>
    %add3A_222 = arith.addf %add3A_220, %add3A_221 : vector<512x9xf32>
    %iota3A_223 = tpu.iota {dimensions = array<i32: 1>} : vector<512x9xi32>
    %reduce_max3A_224 = arith.constant dense<0xFF800000> : vector<512xf32>
    %reduce_max3A_225 = vector.multi_reduction <maximumf>, %add3A_222, %reduce_max3A_224 [1] : vector<512x9xf32> to vector<512xf32>
    %broadcast_in_dim3A_226 = vector.shape_cast %reduce_max3A_225 : vector<512xf32> to vector<512x1xf32>
    %eq3A_227 = vector.broadcast %broadcast_in_dim3A_226 : vector<512x1xf32> to vector<512x9xf32>
    %eq3A_228 = arith.cmpf oeq, %add3A_222, %eq3A_227 : vector<512x9xf32>
    %jit3A_229 = arith.constant 9 : i32
    %broadcast_in_dim3A_230 = vector.broadcast %jit3A_229 : i32 to vector<512x9xi32>
    %select_n3A_231 = arith.select %eq3A_228, %iota3A_223, %broadcast_in_dim3A_230 : vector<512x9xi1>, vector<512x9xi32>
    %reduce_min3A_232 = arith.constant dense<2147483647> : vector<512xi32>
    %reduce_min3A_233 = vector.multi_reduction <minsi>, %select_n3A_231, %reduce_min3A_232 [1] : vector<512x9xi32> to vector<512xi32>
    %broadcast_in_dim3A_234 = vector.shape_cast %reduce_min3A_233 : vector<512xi32> to vector<512x1xi32>
    %convert_element_type3A_235 = arith.sitofp %broadcast_in_dim3A_234 : vector<512x1xi32> to vector<512x1xf32>
    %broadcast_in_dim3A_236 = arith.constant 0.000000e+00 : f32
    %broadcast_in_dim3A_237 = vector.broadcast %broadcast_in_dim3A_236 : f32 to vector<512x6xf32>
    %concatenate3A_238 = tpu.concatenate %add3A_222, %convert_element_type3A_235, %broadcast_in_dim3A_237 in 1 : vector<512x9xf32>, vector<512x1xf32>, vector<512x6xf32> -> vector<512x16xf32>
    %concatenate3A_239 = tpu.concatenate %concatenate3A, %concatenate3A_58, %concatenate3A_88, %concatenate3A_118, %concatenate3A_148, %concatenate3A_178, %concatenate3A_208, %concatenate3A_238 in 1 : vector<512x16xf32>, vector<512x16xf32>, vector<512x16xf32>, vector<512x16xf32>, vector<512x16xf32>, vector<512x16xf32>, vector<512x16xf32>, vector<512x16xf32> -> vector<512x128xf32>
    %swap3A = arith.constant 0 : index
    %swap3A_240 = arith.constant 0 : index
    %swap3A_241 = vector.load %arg7[%swap3A, %swap3A_240] : memref<2561x128xf32, #tpu.memory_space<vmem>>, vector<512x128xf32>
    tpu.vector_store %arg7[%swap3A, %swap3A_240], %concatenate3A_239 {strides = array<i32>} : memref<2561x128xf32, #tpu.memory_space<vmem>>, vector<512x128xf32>,
    %slice3A_242 = vector.extract_strided_slice %get3A_16 {offsets = [511, 0], sizes = [1, 256], strides = [1, 1]} : vector<512x256xf32> to vector<1x256xf32>
    %broadcast_in_dim3A_243 = vector.shape_cast %slice3A_242 : vector<1x256xf32> to vector<1x256xf32>
    %broadcast_in_dim3A_244 = vector.broadcast %broadcast_in_dim3A_243 : vector<1x256xf32> to vector<8x256xf32>
    %slice3A_245 = vector.extract_strided_slice %get3A_16 {offsets = [8, 0], sizes = [504, 256], strides = [1, 1]} : vector<512x256xf32> to vector<504x256xf32>
    %concatenate3A_246 = tpu.concatenate %slice3A_245, %broadcast_in_dim3A_244 in 0 : vector<504x256xf32>, vector<8x256xf32> -> vector<512x256xf32>
    %max3A_247 = arith.maximumf %max3A_214, %concatenate3A_246 : vector<512x256xf32>
    %convert_element_type3A_248 = arith.truncf %max3A_247 : vector<512x256xf32> to vector<512x256xbf16>
    %dot_general3A_249 = arith.constant dense<0.000000e+00> : vector<512x9xf32>
    %dot_general3A_250 = tpu.matmul %convert_element_type3A_248, %convert_element_type3A, %dot_general3A_249 {dimension_numbers = #tpu.dot_dimension_numbers<[1], [0], [0], [1], [0, 0, 1, 1], [], []>, transpose_lhs_hint = false} : vector<512x256xbf16>, vector<256x9xbf16>, vector<512x9xf32> -> vector<512x9xf32>
    %slice3A_251 = vector.extract_strided_slice %dot_general3A_11 {offsets = [8, 0], sizes = [1, 9], strides = [1, 1]} : vector<10x9xf32> to vector<1x9xf32>
    %add3A_252 = vector.broadcast %slice3A_251 : vector<1x9xf32> to vector<512x9xf32>
    %add3A_253 = arith.addf %dot_general3A_250, %add3A_252 : vector<512x9xf32>
    %add3A_254 = vector.broadcast %get3A_6 : vector<1x9xf32> to vector<512x9xf32>
    %add3A_255 = arith.addf %add3A_253, %add3A_254 : vector<512x9xf32>
    %iota3A_256 = tpu.iota {dimensions = array<i32: 1>} : vector<512x9xi32>
    %reduce_max3A_257 = arith.constant dense<0xFF800000> : vector<512xf32>
    %reduce_max3A_258 = vector.multi_reduction <maximumf>, %add3A_255, %reduce_max3A_257 [1] : vector<512x9xf32> to vector<512xf32>
    %broadcast_in_dim3A_259 = vector.shape_cast %reduce_max3A_258 : vector<512xf32> to vector<512x1xf32>
    %eq3A_260 = vector.broadcast %broadcast_in_dim3A_259 : vector<512x1xf32> to vector<512x9xf32>
    %eq3A_261 = arith.cmpf oeq, %add3A_255, %eq3A_260 : vector<512x9xf32>
    %jit3A_262 = arith.constant 9 : i32
    %broadcast_in_dim3A_263 = vector.broadcast %jit3A_262 : i32 to vector<512x9xi32>
    %select_n3A_264 = arith.select %eq3A_261, %iota3A_256, %broadcast_in_dim3A_263 : vector<512x9xi1>, vector<512x9xi32>
    %reduce_min3A_265 = arith.constant dense<2147483647> : vector<512xi32>
    %reduce_min3A_266 = vector.multi_reduction <minsi>, %select_n3A_264, %reduce_min3A_265 [1] : vector<512x9xi32> to vector<512xi32>
    %broadcast_in_dim3A_267 = vector.shape_cast %reduce_min3A_266 : vector<512xi32> to vector<512x1xi32>
    %convert_element_type3A_268 = arith.sitofp %broadcast_in_dim3A_267 : vector<512x1xi32> to vector<512x1xf32>
    %broadcast_in_dim3A_269 = arith.constant 0.000000e+00 : f32
    %broadcast_in_dim3A_270 = vector.broadcast %broadcast_in_dim3A_269 : f32 to vector<512x6xf32>
    %concatenate3A_271 = tpu.concatenate %add3A_255, %convert_element_type3A_268, %broadcast_in_dim3A_270 in 1 : vector<512x9xf32>, vector<512x1xf32>, vector<512x6xf32> -> vector<512x16xf32>
    %slice3A_272 = vector.extract_strided_slice %get3A_16 {offsets = [511, 0], sizes = [1, 256], strides = [1, 1]} : vector<512x256xf32> to vector<1x256xf32>
    %broadcast_in_dim3A_273 = vector.shape_cast %slice3A_272 : vector<1x256xf32> to vector<1x256xf32>
    %broadcast_in_dim3A_274 = vector.broadcast %broadcast_in_dim3A_273 : vector<1x256xf32> to vector<9x256xf32>
    %slice3A_275 = vector.extract_strided_slice %get3A_16 {offsets = [9, 0], sizes = [503, 256], strides = [1, 1]} : vector<512x256xf32> to vector<503x256xf32>
    %concatenate3A_276 = tpu.concatenate %slice3A_275, %broadcast_in_dim3A_274 in 0 : vector<503x256xf32>, vector<9x256xf32> -> vector<512x256xf32>
    %max3A_277 = arith.maximumf %max3A_247, %concatenate3A_276 : vector<512x256xf32>
    %convert_element_type3A_278 = arith.truncf %max3A_277 : vector<512x256xf32> to vector<512x256xbf16>
    %dot_general3A_279 = arith.constant dense<0.000000e+00> : vector<512x9xf32>
    %dot_general3A_280 = tpu.matmul %convert_element_type3A_278, %convert_element_type3A, %dot_general3A_279 {dimension_numbers = #tpu.dot_dimension_numbers<[1], [0], [0], [1], [0, 0, 1, 1], [], []>, transpose_lhs_hint = false} : vector<512x256xbf16>, vector<256x9xbf16>, vector<512x9xf32> -> vector<512x9xf32>
    %slice3A_281 = vector.extract_strided_slice %dot_general3A_11 {offsets = [9, 0], sizes = [1, 9], strides = [1, 1]} : vector<10x9xf32> to vector<1x9xf32>
    %add3A_282 = vector.broadcast %slice3A_281 : vector<1x9xf32> to vector<512x9xf32>
    %add3A_283 = arith.addf %dot_general3A_280, %add3A_282 : vector<512x9xf32>
    %add3A_284 = vector.broadcast %get3A_6 : vector<1x9xf32> to vector<512x9xf32>
    %add3A_285 = arith.addf %add3A_283, %add3A_284 : vector<512x9xf32>
    %iota3A_286 = tpu.iota {dimensions = array<i32: 1>} : vector<512x9xi32>
    %reduce_max3A_287 = arith.constant dense<0xFF800000> : vector<512xf32>
    %reduce_max3A_288 = vector.multi_reduction <maximumf>, %add3A_285, %reduce_max3A_287 [1] : vector<512x9xf32> to vector<512xf32>
    %broadcast_in_dim3A_289 = vector.shape_cast %reduce_max3A_288 : vector<512xf32> to vector<512x1xf32>
    %eq3A_290 = vector.broadcast %broadcast_in_dim3A_289 : vector<512x1xf32> to vector<512x9xf32>
    %eq3A_291 = arith.cmpf oeq, %add3A_285, %eq3A_290 : vector<512x9xf32>
    %jit3A_292 = arith.constant 9 : i32
    %broadcast_in_dim3A_293 = vector.broadcast %jit3A_292 : i32 to vector<512x9xi32>
    %select_n3A_294 = arith.select %eq3A_291, %iota3A_286, %broadcast_in_dim3A_293 : vector<512x9xi1>, vector<512x9xi32>
    %reduce_min3A_295 = arith.constant dense<2147483647> : vector<512xi32>
    %reduce_min3A_296 = vector.multi_reduction <minsi>, %select_n3A_294, %reduce_min3A_295 [1] : vector<512x9xi32> to vector<512xi32>
    %broadcast_in_dim3A_297 = vector.shape_cast %reduce_min3A_296 : vector<512xi32> to vector<512x1xi32>
    %convert_element_type3A_298 = arith.sitofp %broadcast_in_dim3A_297 : vector<512x1xi32> to vector<512x1xf32>
    %broadcast_in_dim3A_299 = arith.constant 0.000000e+00 : f32
    %broadcast_in_dim3A_300 = vector.broadcast %broadcast_in_dim3A_299 : f32 to vector<512x6xf32>
    %concatenate3A_301 = tpu.concatenate %add3A_285, %convert_element_type3A_298, %broadcast_in_dim3A_300 in 1 : vector<512x9xf32>, vector<512x1xf32>, vector<512x6xf32> -> vector<512x16xf32>
    %get3A_302 = arith.constant 1 : index
    %get3A_303 = arith.constant 0 : index
    %get3A_304 = arith.constant 0 : index
    %get3A_305 = vector.load %arg0[%get3A_302, %get3A_303, %get3A_304] : memref<4x512x256xf32, #tpu.memory_space<vmem>>, vector<1x512x256xf32>
    %get3A_306 = vector.shape_cast %get3A_305 : vector<1x512x256xf32> to vector<512x256xf32>
    %convert_element_type3A_307 = arith.truncf %get3A_306 : vector<512x256xf32> to vector<512x256xbf16>
    %dot_general3A_308 = arith.constant dense<0.000000e+00> : vector<512x9xf32>
    %dot_general3A_309 = tpu.matmul %convert_element_type3A_307, %convert_element_type3A, %dot_general3A_308 {dimension_numbers = #tpu.dot_dimension_numbers<[1], [0], [0], [1], [0, 0, 1, 1], [], []>, transpose_lhs_hint = false} : vector<512x256xbf16>, vector<256x9xbf16>, vector<512x9xf32> -> vector<512x9xf32>
    %slice3A_310 = vector.extract_strided_slice %dot_general3A_11 {offsets = [0, 0], sizes = [1, 9], strides = [1, 1]} : vector<10x9xf32> to vector<1x9xf32>
    %add3A_311 = vector.broadcast %slice3A_310 : vector<1x9xf32> to vector<512x9xf32>
    %add3A_312 = arith.addf %dot_general3A_309, %add3A_311 : vector<512x9xf32>
    %add3A_313 = vector.broadcast %get3A_6 : vector<1x9xf32> to vector<512x9xf32>
    %add3A_314 = arith.addf %add3A_312, %add3A_313 : vector<512x9xf32>
    %iota3A_315 = tpu.iota {dimensions = array<i32: 1>} : vector<512x9xi32>
    %reduce_max3A_316 = arith.constant dense<0xFF800000> : vector<512xf32>
    %reduce_max3A_317 = vector.multi_reduction <maximumf>, %add3A_314, %reduce_max3A_316 [1] : vector<512x9xf32> to vector<512xf32>
    %broadcast_in_dim3A_318 = vector.shape_cast %reduce_max3A_317 : vector<512xf32> to vector<512x1xf32>
    %eq3A_319 = vector.broadcast %broadcast_in_dim3A_318 : vector<512x1xf32> to vector<512x9xf32>
    %eq3A_320 = arith.cmpf oeq, %add3A_314, %eq3A_319 : vector<512x9xf32>
    %jit3A_321 = arith.constant 9 : i32
    %broadcast_in_dim3A_322 = vector.broadcast %jit3A_321 : i32 to vector<512x9xi32>
    %select_n3A_323 = arith.select %eq3A_320, %iota3A_315, %broadcast_in_dim3A_322 : vector<512x9xi1>, vector<512x9xi32>
    %reduce_min3A_324 = arith.constant dense<2147483647> : vector<512xi32>
    %reduce_min3A_325 = vector.multi_reduction <minsi>, %select_n3A_323, %reduce_min3A_324 [1] : vector<512x9xi32> to vector<512xi32>
    %broadcast_in_dim3A_326 = vector.shape_cast %reduce_min3A_325 : vector<512xi32> to vector<512x1xi32>
    %convert_element_type3A_327 = arith.sitofp %broadcast_in_dim3A_326 : vector<512x1xi32> to vector<512x1xf32>
    %broadcast_in_dim3A_328 = arith.constant 0.000000e+00 : f32
    %broadcast_in_dim3A_329 = vector.broadcast %broadcast_in_dim3A_328 : f32 to vector<512x6xf32>
    %concatenate3A_330 = tpu.concatenate %add3A_314, %convert_element_type3A_327, %broadcast_in_dim3A_329 in 1 : vector<512x9xf32>, vector<512x1xf32>, vector<512x6xf32> -> vector<512x16xf32>
    %slice3A_331 = vector.extract_strided_slice %get3A_306 {offsets = [511, 0], sizes = [1, 256], strides = [1, 1]} : vector<512x256xf32> to vector<1x256xf32>
    %slice3A_332 = vector.extract_strided_slice %get3A_306 {offsets = [1, 0], sizes = [511, 256], strides = [1, 1]} : vector<512x256xf32> to vector<511x256xf32>
    %concatenate3A_333 = tpu.concatenate %slice3A_332, %slice3A_331 in 0 : vector<511x256xf32>, vector<1x256xf32> -> vector<512x256xf32>
    %max3A_334 = arith.maximumf %get3A_306, %concatenate3A_333 : vector<512x256xf32>
    %convert_element_type3A_335 = arith.truncf %max3A_334 : vector<512x256xf32> to vector<512x256xbf16>
    %dot_general3A_336 = arith.constant dense<0.000000e+00> : vector<512x9xf32>
    %dot_general3A_337 = tpu.matmul %convert_element_type3A_335, %convert_element_type3A, %dot_general3A_336 {dimension_numbers = #tpu.dot_dimension_numbers<[1], [0], [0], [1], [0, 0, 1, 1], [], []>, transpose_lhs_hint = false} : vector<512x256xbf16>, vector<256x9xbf16>, vector<512x9xf32> -> vector<512x9xf32>
    %slice3A_338 = vector.extract_strided_slice %dot_general3A_11 {offsets = [1, 0], sizes = [1, 9], strides = [1, 1]} : vector<10x9xf32> to vector<1x9xf32>
    %add3A_339 = vector.broadcast %slice3A_338 : vector<1x9xf32> to vector<512x9xf32>
    %add3A_340 = arith.addf %dot_general3A_337, %add3A_339 : vector<512x9xf32>
    %add3A_341 = vector.broadcast %get3A_6 : vector<1x9xf32> to vector<512x9xf32>
    %add3A_342 = arith.addf %add3A_340, %add3A_341 : vector<512x9xf32>
    %iota3A_343 = tpu.iota {dimensions = array<i32: 1>} : vector<512x9xi32>
    %reduce_max3A_344 = arith.constant dense<0xFF800000> : vector<512xf32>
    %reduce_max3A_345 = vector.multi_reduction <maximumf>, %add3A_342, %reduce_max3A_344 [1] : vector<512x9xf32> to vector<512xf32>
    %broadcast_in_dim3A_346 = vector.shape_cast %reduce_max3A_345 : vector<512xf32> to vector<512x1xf32>
    %eq3A_347 = vector.broadcast %broadcast_in_dim3A_346 : vector<512x1xf32> to vector<512x9xf32>
    %eq3A_348 = arith.cmpf oeq, %add3A_342, %eq3A_347 : vector<512x9xf32>
    %jit3A_349 = arith.constant 9 : i32
    %broadcast_in_dim3A_350 = vector.broadcast %jit3A_349 : i32 to vector<512x9xi32>
    %select_n3A_351 = arith.select %eq3A_348, %iota3A_343, %broadcast_in_dim3A_350 : vector<512x9xi1>, vector<512x9xi32>
    %reduce_min3A_352 = arith.constant dense<2147483647> : vector<512xi32>
    %reduce_min3A_353 = vector.multi_reduction <minsi>, %select_n3A_351, %reduce_min3A_352 [1] : vector<512x9xi32> to vector<512xi32>
    %broadcast_in_dim3A_354 = vector.shape_cast %reduce_min3A_353 : vector<512xi32> to vector<512x1xi32>
    %convert_element_type3A_355 = arith.sitofp %broadcast_in_dim3A_354 : vector<512x1xi32> to vector<512x1xf32>
    %broadcast_in_dim3A_356 = arith.constant 0.000000e+00 : f32
    %broadcast_in_dim3A_357 = vector.broadcast %broadcast_in_dim3A_356 : f32 to vector<512x6xf32>
    %concatenate3A_358 = tpu.concatenate %add3A_342, %convert_element_type3A_355, %broadcast_in_dim3A_357 in 1 : vector<512x9xf32>, vector<512x1xf32>, vector<512x6xf32> -> vector<512x16xf32>
    %slice3A_359 = vector.extract_strided_slice %get3A_306 {offsets = [511, 0], sizes = [1, 256], strides = [1, 1]} : vector<512x256xf32> to vector<1x256xf32>
    %broadcast_in_dim3A_360 = vector.shape_cast %slice3A_359 : vector<1x256xf32> to vector<1x256xf32>
    %broadcast_in_dim3A_361 = vector.broadcast %broadcast_in_dim3A_360 : vector<1x256xf32> to vector<2x256xf32>
    %slice3A_362 = vector.extract_strided_slice %get3A_306 {offsets = [2, 0], sizes = [510, 256], strides = [1, 1]} : vector<512x256xf32> to vector<510x256xf32>
    %concatenate3A_363 = tpu.concatenate %slice3A_362, %broadcast_in_dim3A_361 in 0 : vector<510x256xf32>, vector<2x256xf32> -> vector<512x256xf32>
    %max3A_364 = arith.maximumf %max3A_334, %concatenate3A_363 : vector<512x256xf32>
    %convert_element_type3A_365 = arith.truncf %max3A_364 : vector<512x256xf32> to vector<512x256xbf16>
    %dot_general3A_366 = arith.constant dense<0.000000e+00> : vector<512x9xf32>
    %dot_general3A_367 = tpu.matmul %convert_element_type3A_365, %convert_element_type3A, %dot_general3A_366 {dimension_numbers = #tpu.dot_dimension_numbers<[1], [0], [0], [1], [0, 0, 1, 1], [], []>, transpose_lhs_hint = false} : vector<512x256xbf16>, vector<256x9xbf16>, vector<512x9xf32> -> vector<512x9xf32>
    %slice3A_368 = vector.extract_strided_slice %dot_general3A_11 {offsets = [2, 0], sizes = [1, 9], strides = [1, 1]} : vector<10x9xf32> to vector<1x9xf32>
    %add3A_369 = vector.broadcast %slice3A_368 : vector<1x9xf32> to vector<512x9xf32>
    %add3A_370 = arith.addf %dot_general3A_367, %add3A_369 : vector<512x9xf32>
    %add3A_371 = vector.broadcast %get3A_6 : vector<1x9xf32> to vector<512x9xf32>
    %add3A_372 = arith.addf %add3A_370, %add3A_371 : vector<512x9xf32>
    %iota3A_373 = tpu.iota {dimensions = array<i32: 1>} : vector<512x9xi32>
    %reduce_max3A_374 = arith.constant dense<0xFF800000> : vector<512xf32>
    %reduce_max3A_375 = vector.multi_reduction <maximumf>, %add3A_372, %reduce_max3A_374 [1] : vector<512x9xf32> to vector<512xf32>
    %broadcast_in_dim3A_376 = vector.shape_cast %reduce_max3A_375 : vector<512xf32> to vector<512x1xf32>
    %eq3A_377 = vector.broadcast %broadcast_in_dim3A_376 : vector<512x1xf32> to vector<512x9xf32>
    %eq3A_378 = arith.cmpf oeq, %add3A_372, %eq3A_377 : vector<512x9xf32>
    %jit3A_379 = arith.constant 9 : i32
    %broadcast_in_dim3A_380 = vector.broadcast %jit3A_379 : i32 to vector<512x9xi32>
    %select_n3A_381 = arith.select %eq3A_378, %iota3A_373, %broadcast_in_dim3A_380 : vector<512x9xi1>, vector<512x9xi32>
    %reduce_min3A_382 = arith.constant dense<2147483647> : vector<512xi32>
    %reduce_min3A_383 = vector.multi_reduction <minsi>, %select_n3A_381, %reduce_min3A_382 [1] : vector<512x9xi32> to vector<512xi32>
    %broadcast_in_dim3A_384 = vector.shape_cast %reduce_min3A_383 : vector<512xi32> to vector<512x1xi32>
    %convert_element_type3A_385 = arith.sitofp %broadcast_in_dim3A_384 : vector<512x1xi32> to vector<512x1xf32>
    %broadcast_in_dim3A_386 = arith.constant 0.000000e+00 : f32
    %broadcast_in_dim3A_387 = vector.broadcast %broadcast_in_dim3A_386 : f32 to vector<512x6xf32>
    %concatenate3A_388 = tpu.concatenate %add3A_372, %convert_element_type3A_385, %broadcast_in_dim3A_387 in 1 : vector<512x9xf32>, vector<512x1xf32>, vector<512x6xf32> -> vector<512x16xf32>
    %slice3A_389 = vector.extract_strided_slice %get3A_306 {offsets = [511, 0], sizes = [1, 256], strides = [1, 1]} : vector<512x256xf32> to vector<1x256xf32>
    %broadcast_in_dim3A_390 = vector.shape_cast %slice3A_389 : vector<1x256xf32> to vector<1x256xf32>
    %broadcast_in_dim3A_391 = vector.broadcast %broadcast_in_dim3A_390 : vector<1x256xf32> to vector<3x256xf32>
    %slice3A_392 = vector.extract_strided_slice %get3A_306 {offsets = [3, 0], sizes = [509, 256], strides = [1, 1]} : vector<512x256xf32> to vector<509x256xf32>
    %concatenate3A_393 = tpu.concatenate %slice3A_392, %broadcast_in_dim3A_391 in 0 : vector<509x256xf32>, vector<3x256xf32> -> vector<512x256xf32>
    %max3A_394 = arith.maximumf %max3A_364, %concatenate3A_393 : vector<512x256xf32>
    %convert_element_type3A_395 = arith.truncf %max3A_394 : vector<512x256xf32> to vector<512x256xbf16>
    %dot_general3A_396 = arith.constant dense<0.000000e+00> : vector<512x9xf32>
    %dot_general3A_397 = tpu.matmul %convert_element_type3A_395, %convert_element_type3A, %dot_general3A_396 {dimension_numbers = #tpu.dot_dimension_numbers<[1], [0], [0], [1], [0, 0, 1, 1], [], []>, transpose_lhs_hint = false} : vector<512x256xbf16>, vector<256x9xbf16>, vector<512x9xf32> -> vector<512x9xf32>
    %slice3A_398 = vector.extract_strided_slice %dot_general3A_11 {offsets = [3, 0], sizes = [1, 9], strides = [1, 1]} : vector<10x9xf32> to vector<1x9xf32>
    %add3A_399 = vector.broadcast %slice3A_398 : vector<1x9xf32> to vector<512x9xf32>
    %add3A_400 = arith.addf %dot_general3A_397, %add3A_399 : vector<512x9xf32>
    %add3A_401 = vector.broadcast %get3A_6 : vector<1x9xf32> to vector<512x9xf32>
    %add3A_402 = arith.addf %add3A_400, %add3A_401 : vector<512x9xf32>
    %iota3A_403 = tpu.iota {dimensions = array<i32: 1>} : vector<512x9xi32>
    %reduce_max3A_404 = arith.constant dense<0xFF800000> : vector<512xf32>
    %reduce_max3A_405 = vector.multi_reduction <maximumf>, %add3A_402, %reduce_max3A_404 [1] : vector<512x9xf32> to vector<512xf32>
    %broadcast_in_dim3A_406 = vector.shape_cast %reduce_max3A_405 : vector<512xf32> to vector<512x1xf32>
    %eq3A_407 = vector.broadcast %broadcast_in_dim3A_406 : vector<512x1xf32> to vector<512x9xf32>
    %eq3A_408 = arith.cmpf oeq, %add3A_402, %eq3A_407 : vector<512x9xf32>
    %jit3A_409 = arith.constant 9 : i32
    %broadcast_in_dim3A_410 = vector.broadcast %jit3A_409 : i32 to vector<512x9xi32>
    %select_n3A_411 = arith.select %eq3A_408, %iota3A_403, %broadcast_in_dim3A_410 : vector<512x9xi1>, vector<512x9xi32>
    %reduce_min3A_412 = arith.constant dense<2147483647> : vector<512xi32>
    %reduce_min3A_413 = vector.multi_reduction <minsi>, %select_n3A_411, %reduce_min3A_412 [1] : vector<512x9xi32> to vector<512xi32>
    %broadcast_in_dim3A_414 = vector.shape_cast %reduce_min3A_413 : vector<512xi32> to vector<512x1xi32>
    %convert_element_type3A_415 = arith.sitofp %broadcast_in_dim3A_414 : vector<512x1xi32> to vector<512x1xf32>
    %broadcast_in_dim3A_416 = arith.constant 0.000000e+00 : f32
    %broadcast_in_dim3A_417 = vector.broadcast %broadcast_in_dim3A_416 : f32 to vector<512x6xf32>
    %concatenate3A_418 = tpu.concatenate %add3A_402, %convert_element_type3A_415, %broadcast_in_dim3A_417 in 1 : vector<512x9xf32>, vector<512x1xf32>, vector<512x6xf32> -> vector<512x16xf32>
    %slice3A_419 = vector.extract_strided_slice %get3A_306 {offsets = [511, 0], sizes = [1, 256], strides = [1, 1]} : vector<512x256xf32> to vector<1x256xf32>
    %broadcast_in_dim3A_420 = vector.shape_cast %slice3A_419 : vector<1x256xf32> to vector<1x256xf32>
    %broadcast_in_dim3A_421 = vector.broadcast %broadcast_in_dim3A_420 : vector<1x256xf32> to vector<4x256xf32>
    %slice3A_422 = vector.extract_strided_slice %get3A_306 {offsets = [4, 0], sizes = [508, 256], strides = [1, 1]} : vector<512x256xf32> to vector<508x256xf32>
    %concatenate3A_423 = tpu.concatenate %slice3A_422, %broadcast_in_dim3A_421 in 0 : vector<508x256xf32>, vector<4x256xf32> -> vector<512x256xf32>
    %max3A_424 = arith.maximumf %max3A_394, %concatenate3A_423 : vector<512x256xf32>
    %convert_element_type3A_425 = arith.truncf %max3A_424 : vector<512x256xf32> to vector<512x256xbf16>
    %dot_general3A_426 = arith.constant dense<0.000000e+00> : vector<512x9xf32>
    %dot_general3A_427 = tpu.matmul %convert_element_type3A_425, %convert_element_type3A, %dot_general3A_426 {dimension_numbers = #tpu.dot_dimension_numbers<[1], [0], [0], [1], [0, 0, 1, 1], [], []>, transpose_lhs_hint = false} : vector<512x256xbf16>, vector<256x9xbf16>, vector<512x9xf32> -> vector<512x9xf32>
    %slice3A_428 = vector.extract_strided_slice %dot_general3A_11 {offsets = [4, 0], sizes = [1, 9], strides = [1, 1]} : vector<10x9xf32> to vector<1x9xf32>
    %add3A_429 = vector.broadcast %slice3A_428 : vector<1x9xf32> to vector<512x9xf32>
    %add3A_430 = arith.addf %dot_general3A_427, %add3A_429 : vector<512x9xf32>
    %add3A_431 = vector.broadcast %get3A_6 : vector<1x9xf32> to vector<512x9xf32>
    %add3A_432 = arith.addf %add3A_430, %add3A_431 : vector<512x9xf32>
    %iota3A_433 = tpu.iota {dimensions = array<i32: 1>} : vector<512x9xi32>
    %reduce_max3A_434 = arith.constant dense<0xFF800000> : vector<512xf32>
    %reduce_max3A_435 = vector.multi_reduction <maximumf>, %add3A_432, %reduce_max3A_434 [1] : vector<512x9xf32> to vector<512xf32>
    %broadcast_in_dim3A_436 = vector.shape_cast %reduce_max3A_435 : vector<512xf32> to vector<512x1xf32>
    %eq3A_437 = vector.broadcast %broadcast_in_dim3A_436 : vector<512x1xf32> to vector<512x9xf32>
    %eq3A_438 = arith.cmpf oeq, %add3A_432, %eq3A_437 : vector<512x9xf32>
    %jit3A_439 = arith.constant 9 : i32
    %broadcast_in_dim3A_440 = vector.broadcast %jit3A_439 : i32 to vector<512x9xi32>
    %select_n3A_441 = arith.select %eq3A_438, %iota3A_433, %broadcast_in_dim3A_440 : vector<512x9xi1>, vector<512x9xi32>
    %reduce_min3A_442 = arith.constant dense<2147483647> : vector<512xi32>
    %reduce_min3A_443 = vector.multi_reduction <minsi>, %select_n3A_441, %reduce_min3A_442 [1] : vector<512x9xi32> to vector<512xi32>
    %broadcast_in_dim3A_444 = vector.shape_cast %reduce_min3A_443 : vector<512xi32> to vector<512x1xi32>
    %convert_element_type3A_445 = arith.sitofp %broadcast_in_dim3A_444 : vector<512x1xi32> to vector<512x1xf32>
    %broadcast_in_dim3A_446 = arith.constant 0.000000e+00 : f32
    %broadcast_in_dim3A_447 = vector.broadcast %broadcast_in_dim3A_446 : f32 to vector<512x6xf32>
    %concatenate3A_448 = tpu.concatenate %add3A_432, %convert_element_type3A_445, %broadcast_in_dim3A_447 in 1 : vector<512x9xf32>, vector<512x1xf32>, vector<512x6xf32> -> vector<512x16xf32>
    %slice3A_449 = vector.extract_strided_slice %get3A_306 {offsets = [511, 0], sizes = [1, 256], strides = [1, 1]} : vector<512x256xf32> to vector<1x256xf32>
    %broadcast_in_dim3A_450 = vector.shape_cast %slice3A_449 : vector<1x256xf32> to vector<1x256xf32>
    %broadcast_in_dim3A_451 = vector.broadcast %broadcast_in_dim3A_450 : vector<1x256xf32> to vector<5x256xf32>
    %slice3A_452 = vector.extract_strided_slice %get3A_306 {offsets = [5, 0], sizes = [507, 256], strides = [1, 1]} : vector<512x256xf32> to vector<507x256xf32>
    %concatenate3A_453 = tpu.concatenate %slice3A_452, %broadcast_in_dim3A_451 in 0 : vector<507x256xf32>, vector<5x256xf32> -> vector<512x256xf32>
    %max3A_454 = arith.maximumf %max3A_424, %concatenate3A_453 : vector<512x256xf32>
    %convert_element_type3A_455 = arith.truncf %max3A_454 : vector<512x256xf32> to vector<512x256xbf16>
    %dot_general3A_456 = arith.constant dense<0.000000e+00> : vector<512x9xf32>
    %dot_general3A_457 = tpu.matmul %convert_element_type3A_455, %convert_element_type3A, %dot_general3A_456 {dimension_numbers = #tpu.dot_dimension_numbers<[1], [0], [0], [1], [0, 0, 1, 1], [], []>, transpose_lhs_hint = false} : vector<512x256xbf16>, vector<256x9xbf16>, vector<512x9xf32> -> vector<512x9xf32>
    %slice3A_458 = vector.extract_strided_slice %dot_general3A_11 {offsets = [5, 0], sizes = [1, 9], strides = [1, 1]} : vector<10x9xf32> to vector<1x9xf32>
    %add3A_459 = vector.broadcast %slice3A_458 : vector<1x9xf32> to vector<512x9xf32>
    %add3A_460 = arith.addf %dot_general3A_457, %add3A_459 : vector<512x9xf32>
    %add3A_461 = vector.broadcast %get3A_6 : vector<1x9xf32> to vector<512x9xf32>
    %add3A_462 = arith.addf %add3A_460, %add3A_461 : vector<512x9xf32>
    %iota3A_463 = tpu.iota {dimensions = array<i32: 1>} : vector<512x9xi32>
    %reduce_max3A_464 = arith.constant dense<0xFF800000> : vector<512xf32>
    %reduce_max3A_465 = vector.multi_reduction <maximumf>, %add3A_462, %reduce_max3A_464 [1] : vector<512x9xf32> to vector<512xf32>
    %broadcast_in_dim3A_466 = vector.shape_cast %reduce_max3A_465 : vector<512xf32> to vector<512x1xf32>
    %eq3A_467 = vector.broadcast %broadcast_in_dim3A_466 : vector<512x1xf32> to vector<512x9xf32>
    %eq3A_468 = arith.cmpf oeq, %add3A_462, %eq3A_467 : vector<512x9xf32>
    %jit3A_469 = arith.constant 9 : i32
    %broadcast_in_dim3A_470 = vector.broadcast %jit3A_469 : i32 to vector<512x9xi32>
    %select_n3A_471 = arith.select %eq3A_468, %iota3A_463, %broadcast_in_dim3A_470 : vector<512x9xi1>, vector<512x9xi32>
    %reduce_min3A_472 = arith.constant dense<2147483647> : vector<512xi32>
    %reduce_min3A_473 = vector.multi_reduction <minsi>, %select_n3A_471, %reduce_min3A_472 [1] : vector<512x9xi32> to vector<512xi32>
    %broadcast_in_dim3A_474 = vector.shape_cast %reduce_min3A_473 : vector<512xi32> to vector<512x1xi32>
    %convert_element_type3A_475 = arith.sitofp %broadcast_in_dim3A_474 : vector<512x1xi32> to vector<512x1xf32>
    %broadcast_in_dim3A_476 = arith.constant 0.000000e+00 : f32
    %broadcast_in_dim3A_477 = vector.broadcast %broadcast_in_dim3A_476 : f32 to vector<512x6xf32>
    %concatenate3A_478 = tpu.concatenate %add3A_462, %convert_element_type3A_475, %broadcast_in_dim3A_477 in 1 : vector<512x9xf32>, vector<512x1xf32>, vector<512x6xf32> -> vector<512x16xf32>
    %concatenate3A_479 = tpu.concatenate %concatenate3A_271, %concatenate3A_301, %concatenate3A_330, %concatenate3A_358, %concatenate3A_388, %concatenate3A_418, %concatenate3A_448, %concatenate3A_478 in 1 : vector<512x16xf32>, vector<512x16xf32>, vector<512x16xf32>, vector<512x16xf32>, vector<512x16xf32>, vector<512x16xf32>, vector<512x16xf32>, vector<512x16xf32> -> vector<512x128xf32>
    %swap3A_480 = arith.constant 512 : index
    %swap3A_481 = arith.constant 0 : index
    %swap3A_482 = vector.load %arg7[%swap3A_480, %swap3A_481] : memref<2561x128xf32, #tpu.memory_space<vmem>>, vector<512x128xf32>
    tpu.vector_store %arg7[%swap3A_480, %swap3A_481], %concatenate3A_479 {strides = array<i32>} : memref<2561x128xf32, #tpu.memory_space<vmem>>, vector<512x128xf32>,
    %slice3A_483 = vector.extract_strided_slice %get3A_306 {offsets = [511, 0], sizes = [1, 256], strides = [1, 1]} : vector<512x256xf32> to vector<1x256xf32>
    %broadcast_in_dim3A_484 = vector.shape_cast %slice3A_483 : vector<1x256xf32> to vector<1x256xf32>
    %broadcast_in_dim3A_485 = vector.broadcast %broadcast_in_dim3A_484 : vector<1x256xf32> to vector<6x256xf32>
    %slice3A_486 = vector.extract_strided_slice %get3A_306 {offsets = [6, 0], sizes = [506, 256], strides = [1, 1]} : vector<512x256xf32> to vector<506x256xf32>
    %concatenate3A_487 = tpu.concatenate %slice3A_486, %broadcast_in_dim3A_485 in 0 : vector<506x256xf32>, vector<6x256xf32> -> vector<512x256xf32>
    %max3A_488 = arith.maximumf %max3A_454, %concatenate3A_487 : vector<512x256xf32>
    %convert_element_type3A_489 = arith.truncf %max3A_488 : vector<512x256xf32> to vector<512x256xbf16>
    %dot_general3A_490 = arith.constant dense<0.000000e+00> : vector<512x9xf32>
    %dot_general3A_491 = tpu.matmul %convert_element_type3A_489, %convert_element_type3A, %dot_general3A_490 {dimension_numbers = #tpu.dot_dimension_numbers<[1], [0], [0], [1], [0, 0, 1, 1], [], []>, transpose_lhs_hint = false} : vector<512x256xbf16>, vector<256x9xbf16>, vector<512x9xf32> -> vector<512x9xf32>
    %slice3A_492 = vector.extract_strided_slice %dot_general3A_11 {offsets = [6, 0], sizes = [1, 9], strides = [1, 1]} : vector<10x9xf32> to vector<1x9xf32>
    %add3A_493 = vector.broadcast %slice3A_492 : vector<1x9xf32> to vector<512x9xf32>
    %add3A_494 = arith.addf %dot_general3A_491, %add3A_493 : vector<512x9xf32>
    %add3A_495 = vector.broadcast %get3A_6 : vector<1x9xf32> to vector<512x9xf32>
    %add3A_496 = arith.addf %add3A_494, %add3A_495 : vector<512x9xf32>
    %iota3A_497 = tpu.iota {dimensions = array<i32: 1>} : vector<512x9xi32>
    %reduce_max3A_498 = arith.constant dense<0xFF800000> : vector<512xf32>
    %reduce_max3A_499 = vector.multi_reduction <maximumf>, %add3A_496, %reduce_max3A_498 [1] : vector<512x9xf32> to vector<512xf32>
    %broadcast_in_dim3A_500 = vector.shape_cast %reduce_max3A_499 : vector<512xf32> to vector<512x1xf32>
    %eq3A_501 = vector.broadcast %broadcast_in_dim3A_500 : vector<512x1xf32> to vector<512x9xf32>
    %eq3A_502 = arith.cmpf oeq, %add3A_496, %eq3A_501 : vector<512x9xf32>
    %jit3A_503 = arith.constant 9 : i32
    %broadcast_in_dim3A_504 = vector.broadcast %jit3A_503 : i32 to vector<512x9xi32>
    %select_n3A_505 = arith.select %eq3A_502, %iota3A_497, %broadcast_in_dim3A_504 : vector<512x9xi1>, vector<512x9xi32>
    %reduce_min3A_506 = arith.constant dense<2147483647> : vector<512xi32>
    %reduce_min3A_507 = vector.multi_reduction <minsi>, %select_n3A_505, %reduce_min3A_506 [1] : vector<512x9xi32> to vector<512xi32>
    %broadcast_in_dim3A_508 = vector.shape_cast %reduce_min3A_507 : vector<512xi32> to vector<512x1xi32>
    %convert_element_type3A_509 = arith.sitofp %broadcast_in_dim3A_508 : vector<512x1xi32> to vector<512x1xf32>
    %broadcast_in_dim3A_510 = arith.constant 0.000000e+00 : f32
    %broadcast_in_dim3A_511 = vector.broadcast %broadcast_in_dim3A_510 : f32 to vector<512x6xf32>
    %concatenate3A_512 = tpu.concatenate %add3A_496, %convert_element_type3A_509, %broadcast_in_dim3A_511 in 1 : vector<512x9xf32>, vector<512x1xf32>, vector<512x6xf32> -> vector<512x16xf32>
    %slice3A_513 = vector.extract_strided_slice %get3A_306 {offsets = [511, 0], sizes = [1, 256], strides = [1, 1]} : vector<512x256xf32> to vector<1x256xf32>
    %broadcast_in_dim3A_514 = vector.shape_cast %slice3A_513 : vector<1x256xf32> to vector<1x256xf32>
    %broadcast_in_dim3A_515 = vector.broadcast %broadcast_in_dim3A_514 : vector<1x256xf32> to vector<7x256xf32>
    %slice3A_516 = vector.extract_strided_slice %get3A_306 {offsets = [7, 0], sizes = [505, 256], strides = [1, 1]} : vector<512x256xf32> to vector<505x256xf32>
    %concatenate3A_517 = tpu.concatenate %slice3A_516, %broadcast_in_dim3A_515 in 0 : vector<505x256xf32>, vector<7x256xf32> -> vector<512x256xf32>
    %max3A_518 = arith.maximumf %max3A_488, %concatenate3A_517 : vector<512x256xf32>
    %convert_element_type3A_519 = arith.truncf %max3A_518 : vector<512x256xf32> to vector<512x256xbf16>
    %dot_general3A_520 = arith.constant dense<0.000000e+00> : vector<512x9xf32>
    %dot_general3A_521 = tpu.matmul %convert_element_type3A_519, %convert_element_type3A, %dot_general3A_520 {dimension_numbers = #tpu.dot_dimension_numbers<[1], [0], [0], [1], [0, 0, 1, 1], [], []>, transpose_lhs_hint = false} : vector<512x256xbf16>, vector<256x9xbf16>, vector<512x9xf32> -> vector<512x9xf32>
    %slice3A_522 = vector.extract_strided_slice %dot_general3A_11 {offsets = [7, 0], sizes = [1, 9], strides = [1, 1]} : vector<10x9xf32> to vector<1x9xf32>
    %add3A_523 = vector.broadcast %slice3A_522 : vector<1x9xf32> to vector<512x9xf32>
    %add3A_524 = arith.addf %dot_general3A_521, %add3A_523 : vector<512x9xf32>
    %add3A_525 = vector.broadcast %get3A_6 : vector<1x9xf32> to vector<512x9xf32>
    %add3A_526 = arith.addf %add3A_524, %add3A_525 : vector<512x9xf32>
    %iota3A_527 = tpu.iota {dimensions = array<i32: 1>} : vector<512x9xi32>
    %reduce_max3A_528 = arith.constant dense<0xFF800000> : vector<512xf32>
    %reduce_max3A_529 = vector.multi_reduction <maximumf>, %add3A_526, %reduce_max3A_528 [1] : vector<512x9xf32> to vector<512xf32>
    %broadcast_in_dim3A_530 = vector.shape_cast %reduce_max3A_529 : vector<512xf32> to vector<512x1xf32>
    %eq3A_531 = vector.broadcast %broadcast_in_dim3A_530 : vector<512x1xf32> to vector<512x9xf32>
    %eq3A_532 = arith.cmpf oeq, %add3A_526, %eq3A_531 : vector<512x9xf32>
    %jit3A_533 = arith.constant 9 : i32
    %broadcast_in_dim3A_534 = vector.broadcast %jit3A_533 : i32 to vector<512x9xi32>
    %select_n3A_535 = arith.select %eq3A_532, %iota3A_527, %broadcast_in_dim3A_534 : vector<512x9xi1>, vector<512x9xi32>
    %reduce_min3A_536 = arith.constant dense<2147483647> : vector<512xi32>
    %reduce_min3A_537 = vector.multi_reduction <minsi>, %select_n3A_535, %reduce_min3A_536 [1] : vector<512x9xi32> to vector<512xi32>
    %broadcast_in_dim3A_538 = vector.shape_cast %reduce_min3A_537 : vector<512xi32> to vector<512x1xi32>
    %convert_element_type3A_539 = arith.sitofp %broadcast_in_dim3A_538 : vector<512x1xi32> to vector<512x1xf32>
    %broadcast_in_dim3A_540 = arith.constant 0.000000e+00 : f32
    %broadcast_in_dim3A_541 = vector.broadcast %broadcast_in_dim3A_540 : f32 to vector<512x6xf32>
    %concatenate3A_542 = tpu.concatenate %add3A_526, %convert_element_type3A_539, %broadcast_in_dim3A_541 in 1 : vector<512x9xf32>, vector<512x1xf32>, vector<512x6xf32> -> vector<512x16xf32>
    %slice3A_543 = vector.extract_strided_slice %get3A_306 {offsets = [511, 0], sizes = [1, 256], strides = [1, 1]} : vector<512x256xf32> to vector<1x256xf32>
    %broadcast_in_dim3A_544 = vector.shape_cast %slice3A_543 : vector<1x256xf32> to vector<1x256xf32>
    %broadcast_in_dim3A_545 = vector.broadcast %broadcast_in_dim3A_544 : vector<1x256xf32> to vector<8x256xf32>
    %slice3A_546 = vector.extract_strided_slice %get3A_306 {offsets = [8, 0], sizes = [504, 256], strides = [1, 1]} : vector<512x256xf32> to vector<504x256xf32>
    %concatenate3A_547 = tpu.concatenate %slice3A_546, %broadcast_in_dim3A_545 in 0 : vector<504x256xf32>, vector<8x256xf32> -> vector<512x256xf32>
    %max3A_548 = arith.maximumf %max3A_518, %concatenate3A_547 : vector<512x256xf32>
    %convert_element_type3A_549 = arith.truncf %max3A_548 : vector<512x256xf32> to vector<512x256xbf16>
    %dot_general3A_550 = arith.constant dense<0.000000e+00> : vector<512x9xf32>
    %dot_general3A_551 = tpu.matmul %convert_element_type3A_549, %convert_element_type3A, %dot_general3A_550 {dimension_numbers = #tpu.dot_dimension_numbers<[1], [0], [0], [1], [0, 0, 1, 1], [], []>, transpose_lhs_hint = false} : vector<512x256xbf16>, vector<256x9xbf16>, vector<512x9xf32> -> vector<512x9xf32>
    %slice3A_552 = vector.extract_strided_slice %dot_general3A_11 {offsets = [8, 0], sizes = [1, 9], strides = [1, 1]} : vector<10x9xf32> to vector<1x9xf32>
    %add3A_553 = vector.broadcast %slice3A_552 : vector<1x9xf32> to vector<512x9xf32>
    %add3A_554 = arith.addf %dot_general3A_551, %add3A_553 : vector<512x9xf32>
    %add3A_555 = vector.broadcast %get3A_6 : vector<1x9xf32> to vector<512x9xf32>
    %add3A_556 = arith.addf %add3A_554, %add3A_555 : vector<512x9xf32>
    %iota3A_557 = tpu.iota {dimensions = array<i32: 1>} : vector<512x9xi32>
    %reduce_max3A_558 = arith.constant dense<0xFF800000> : vector<512xf32>
    %reduce_max3A_559 = vector.multi_reduction <maximumf>, %add3A_556, %reduce_max3A_558 [1] : vector<512x9xf32> to vector<512xf32>
    %broadcast_in_dim3A_560 = vector.shape_cast %reduce_max3A_559 : vector<512xf32> to vector<512x1xf32>
    %eq3A_561 = vector.broadcast %broadcast_in_dim3A_560 : vector<512x1xf32> to vector<512x9xf32>
    %eq3A_562 = arith.cmpf oeq, %add3A_556, %eq3A_561 : vector<512x9xf32>
    %jit3A_563 = arith.constant 9 : i32
    %broadcast_in_dim3A_564 = vector.broadcast %jit3A_563 : i32 to vector<512x9xi32>
    %select_n3A_565 = arith.select %eq3A_562, %iota3A_557, %broadcast_in_dim3A_564 : vector<512x9xi1>, vector<512x9xi32>
    %reduce_min3A_566 = arith.constant dense<2147483647> : vector<512xi32>
    %reduce_min3A_567 = vector.multi_reduction <minsi>, %select_n3A_565, %reduce_min3A_566 [1] : vector<512x9xi32> to vector<512xi32>
    %broadcast_in_dim3A_568 = vector.shape_cast %reduce_min3A_567 : vector<512xi32> to vector<512x1xi32>
    %convert_element_type3A_569 = arith.sitofp %broadcast_in_dim3A_568 : vector<512x1xi32> to vector<512x1xf32>
    %broadcast_in_dim3A_570 = arith.constant 0.000000e+00 : f32
    %broadcast_in_dim3A_571 = vector.broadcast %broadcast_in_dim3A_570 : f32 to vector<512x6xf32>
    %concatenate3A_572 = tpu.concatenate %add3A_556, %convert_element_type3A_569, %broadcast_in_dim3A_571 in 1 : vector<512x9xf32>, vector<512x1xf32>, vector<512x6xf32> -> vector<512x16xf32>
    %slice3A_573 = vector.extract_strided_slice %get3A_306 {offsets = [511, 0], sizes = [1, 256], strides = [1, 1]} : vector<512x256xf32> to vector<1x256xf32>
    %broadcast_in_dim3A_574 = vector.shape_cast %slice3A_573 : vector<1x256xf32> to vector<1x256xf32>
    %broadcast_in_dim3A_575 = vector.broadcast %broadcast_in_dim3A_574 : vector<1x256xf32> to vector<9x256xf32>
    %slice3A_576 = vector.extract_strided_slice %get3A_306 {offsets = [9, 0], sizes = [503, 256], strides = [1, 1]} : vector<512x256xf32> to vector<503x256xf32>
    %concatenate3A_577 = tpu.concatenate %slice3A_576, %broadcast_in_dim3A_575 in 0 : vector<503x256xf32>, vector<9x256xf32> -> vector<512x256xf32>
    %max3A_578 = arith.maximumf %max3A_548, %concatenate3A_577 : vector<512x256xf32>
    %convert_element_type3A_579 = arith.truncf %max3A_578 : vector<512x256xf32> to vector<512x256xbf16>
    %dot_general3A_580 = arith.constant dense<0.000000e+00> : vector<512x9xf32>
    %dot_general3A_581 = tpu.matmul %convert_element_type3A_579, %convert_element_type3A, %dot_general3A_580 {dimension_numbers = #tpu.dot_dimension_numbers<[1], [0], [0], [1], [0, 0, 1, 1], [], []>, transpose_lhs_hint = false} : vector<512x256xbf16>, vector<256x9xbf16>, vector<512x9xf32> -> vector<512x9xf32>
    %slice3A_582 = vector.extract_strided_slice %dot_general3A_11 {offsets = [9, 0], sizes = [1, 9], strides = [1, 1]} : vector<10x9xf32> to vector<1x9xf32>
    %add3A_583 = vector.broadcast %slice3A_582 : vector<1x9xf32> to vector<512x9xf32>
    %add3A_584 = arith.addf %dot_general3A_581, %add3A_583 : vector<512x9xf32>
    %add3A_585 = vector.broadcast %get3A_6 : vector<1x9xf32> to vector<512x9xf32>
    %add3A_586 = arith.addf %add3A_584, %add3A_585 : vector<512x9xf32>
    %iota3A_587 = tpu.iota {dimensions = array<i32: 1>} : vector<512x9xi32>
    %reduce_max3A_588 = arith.constant dense<0xFF800000> : vector<512xf32>
    %reduce_max3A_589 = vector.multi_reduction <maximumf>, %add3A_586, %reduce_max3A_588 [1] : vector<512x9xf32> to vector<512xf32>
    %broadcast_in_dim3A_590 = vector.shape_cast %reduce_max3A_589 : vector<512xf32> to vector<512x1xf32>
    %eq3A_591 = vector.broadcast %broadcast_in_dim3A_590 : vector<512x1xf32> to vector<512x9xf32>
    %eq3A_592 = arith.cmpf oeq, %add3A_586, %eq3A_591 : vector<512x9xf32>
    %jit3A_593 = arith.constant 9 : i32
    %broadcast_in_dim3A_594 = vector.broadcast %jit3A_593 : i32 to vector<512x9xi32>
    %select_n3A_595 = arith.select %eq3A_592, %iota3A_587, %broadcast_in_dim3A_594 : vector<512x9xi1>, vector<512x9xi32>
    %reduce_min3A_596 = arith.constant dense<2147483647> : vector<512xi32>
    %reduce_min3A_597 = vector.multi_reduction <minsi>, %select_n3A_595, %reduce_min3A_596 [1] : vector<512x9xi32> to vector<512xi32>
    %broadcast_in_dim3A_598 = vector.shape_cast %reduce_min3A_597 : vector<512xi32> to vector<512x1xi32>
    %convert_element_type3A_599 = arith.sitofp %broadcast_in_dim3A_598 : vector<512x1xi32> to vector<512x1xf32>
    %broadcast_in_dim3A_600 = arith.constant 0.000000e+00 : f32
    %broadcast_in_dim3A_601 = vector.broadcast %broadcast_in_dim3A_600 : f32 to vector<512x6xf32>
    %concatenate3A_602 = tpu.concatenate %add3A_586, %convert_element_type3A_599, %broadcast_in_dim3A_601 in 1 : vector<512x9xf32>, vector<512x1xf32>, vector<512x6xf32> -> vector<512x16xf32>
    %get3A_603 = arith.constant 2 : index
    %get3A_604 = arith.constant 0 : index
    %get3A_605 = arith.constant 0 : index
    %get3A_606 = vector.load %arg0[%get3A_603, %get3A_604, %get3A_605] : memref<4x512x256xf32, #tpu.memory_space<vmem>>, vector<1x512x256xf32>
    %get3A_607 = vector.shape_cast %get3A_606 : vector<1x512x256xf32> to vector<512x256xf32>
    %convert_element_type3A_608 = arith.truncf %get3A_607 : vector<512x256xf32> to vector<512x256xbf16>
    %dot_general3A_609 = arith.constant dense<0.000000e+00> : vector<512x9xf32>
    %dot_general3A_610 = tpu.matmul %convert_element_type3A_608, %convert_element_type3A, %dot_general3A_609 {dimension_numbers = #tpu.dot_dimension_numbers<[1], [0], [0], [1], [0, 0, 1, 1], [], []>, transpose_lhs_hint = false} : vector<512x256xbf16>, vector<256x9xbf16>, vector<512x9xf32> -> vector<512x9xf32>
    %slice3A_611 = vector.extract_strided_slice %dot_general3A_11 {offsets = [0, 0], sizes = [1, 9], strides = [1, 1]} : vector<10x9xf32> to vector<1x9xf32>
    %add3A_612 = vector.broadcast %slice3A_611 : vector<1x9xf32> to vector<512x9xf32>
    %add3A_613 = arith.addf %dot_general3A_610, %add3A_612 : vector<512x9xf32>
    %add3A_614 = vector.broadcast %get3A_6 : vector<1x9xf32> to vector<512x9xf32>
    %add3A_615 = arith.addf %add3A_613, %add3A_614 : vector<512x9xf32>
    %iota3A_616 = tpu.iota {dimensions = array<i32: 1>} : vector<512x9xi32>
    %reduce_max3A_617 = arith.constant dense<0xFF800000> : vector<512xf32>
    %reduce_max3A_618 = vector.multi_reduction <maximumf>, %add3A_615, %reduce_max3A_617 [1] : vector<512x9xf32> to vector<512xf32>
    %broadcast_in_dim3A_619 = vector.shape_cast %reduce_max3A_618 : vector<512xf32> to vector<512x1xf32>
    %eq3A_620 = vector.broadcast %broadcast_in_dim3A_619 : vector<512x1xf32> to vector<512x9xf32>
    %eq3A_621 = arith.cmpf oeq, %add3A_615, %eq3A_620 : vector<512x9xf32>
    %jit3A_622 = arith.constant 9 : i32
    %broadcast_in_dim3A_623 = vector.broadcast %jit3A_622 : i32 to vector<512x9xi32>
    %select_n3A_624 = arith.select %eq3A_621, %iota3A_616, %broadcast_in_dim3A_623 : vector<512x9xi1>, vector<512x9xi32>
    %reduce_min3A_625 = arith.constant dense<2147483647> : vector<512xi32>
    %reduce_min3A_626 = vector.multi_reduction <minsi>, %select_n3A_624, %reduce_min3A_625 [1] : vector<512x9xi32> to vector<512xi32>
    %broadcast_in_dim3A_627 = vector.shape_cast %reduce_min3A_626 : vector<512xi32> to vector<512x1xi32>
    %convert_element_type3A_628 = arith.sitofp %broadcast_in_dim3A_627 : vector<512x1xi32> to vector<512x1xf32>
    %broadcast_in_dim3A_629 = arith.constant 0.000000e+00 : f32
    %broadcast_in_dim3A_630 = vector.broadcast %broadcast_in_dim3A_629 : f32 to vector<512x6xf32>
    %concatenate3A_631 = tpu.concatenate %add3A_615, %convert_element_type3A_628, %broadcast_in_dim3A_630 in 1 : vector<512x9xf32>, vector<512x1xf32>, vector<512x6xf32> -> vector<512x16xf32>
    %slice3A_632 = vector.extract_strided_slice %get3A_607 {offsets = [511, 0], sizes = [1, 256], strides = [1, 1]} : vector<512x256xf32> to vector<1x256xf32>
    %slice3A_633 = vector.extract_strided_slice %get3A_607 {offsets = [1, 0], sizes = [511, 256], strides = [1, 1]} : vector<512x256xf32> to vector<511x256xf32>
    %concatenate3A_634 = tpu.concatenate %slice3A_633, %slice3A_632 in 0 : vector<511x256xf32>, vector<1x256xf32> -> vector<512x256xf32>
    %max3A_635 = arith.maximumf %get3A_607, %concatenate3A_634 : vector<512x256xf32>
    %convert_element_type3A_636 = arith.truncf %max3A_635 : vector<512x256xf32> to vector<512x256xbf16>
    %dot_general3A_637 = arith.constant dense<0.000000e+00> : vector<512x9xf32>
    %dot_general3A_638 = tpu.matmul %convert_element_type3A_636, %convert_element_type3A, %dot_general3A_637 {dimension_numbers = #tpu.dot_dimension_numbers<[1], [0], [0], [1], [0, 0, 1, 1], [], []>, transpose_lhs_hint = false} : vector<512x256xbf16>, vector<256x9xbf16>, vector<512x9xf32> -> vector<512x9xf32>
    %slice3A_639 = vector.extract_strided_slice %dot_general3A_11 {offsets = [1, 0], sizes = [1, 9], strides = [1, 1]} : vector<10x9xf32> to vector<1x9xf32>
    %add3A_640 = vector.broadcast %slice3A_639 : vector<1x9xf32> to vector<512x9xf32>
    %add3A_641 = arith.addf %dot_general3A_638, %add3A_640 : vector<512x9xf32>
    %add3A_642 = vector.broadcast %get3A_6 : vector<1x9xf32> to vector<512x9xf32>
    %add3A_643 = arith.addf %add3A_641, %add3A_642 : vector<512x9xf32>
    %iota3A_644 = tpu.iota {dimensions = array<i32: 1>} : vector<512x9xi32>
    %reduce_max3A_645 = arith.constant dense<0xFF800000> : vector<512xf32>
    %reduce_max3A_646 = vector.multi_reduction <maximumf>, %add3A_643, %reduce_max3A_645 [1] : vector<512x9xf32> to vector<512xf32>
    %broadcast_in_dim3A_647 = vector.shape_cast %reduce_max3A_646 : vector<512xf32> to vector<512x1xf32>
    %eq3A_648 = vector.broadcast %broadcast_in_dim3A_647 : vector<512x1xf32> to vector<512x9xf32>
    %eq3A_649 = arith.cmpf oeq, %add3A_643, %eq3A_648 : vector<512x9xf32>
    %jit3A_650 = arith.constant 9 : i32
    %broadcast_in_dim3A_651 = vector.broadcast %jit3A_650 : i32 to vector<512x9xi32>
    %select_n3A_652 = arith.select %eq3A_649, %iota3A_644, %broadcast_in_dim3A_651 : vector<512x9xi1>, vector<512x9xi32>
    %reduce_min3A_653 = arith.constant dense<2147483647> : vector<512xi32>
    %reduce_min3A_654 = vector.multi_reduction <minsi>, %select_n3A_652, %reduce_min3A_653 [1] : vector<512x9xi32> to vector<512xi32>
    %broadcast_in_dim3A_655 = vector.shape_cast %reduce_min3A_654 : vector<512xi32> to vector<512x1xi32>
    %convert_element_type3A_656 = arith.sitofp %broadcast_in_dim3A_655 : vector<512x1xi32> to vector<512x1xf32>
    %broadcast_in_dim3A_657 = arith.constant 0.000000e+00 : f32
    %broadcast_in_dim3A_658 = vector.broadcast %broadcast_in_dim3A_657 : f32 to vector<512x6xf32>
    %concatenate3A_659 = tpu.concatenate %add3A_643, %convert_element_type3A_656, %broadcast_in_dim3A_658 in 1 : vector<512x9xf32>, vector<512x1xf32>, vector<512x6xf32> -> vector<512x16xf32>
    %slice3A_660 = vector.extract_strided_slice %get3A_607 {offsets = [511, 0], sizes = [1, 256], strides = [1, 1]} : vector<512x256xf32> to vector<1x256xf32>
    %broadcast_in_dim3A_661 = vector.shape_cast %slice3A_660 : vector<1x256xf32> to vector<1x256xf32>
    %broadcast_in_dim3A_662 = vector.broadcast %broadcast_in_dim3A_661 : vector<1x256xf32> to vector<2x256xf32>
    %slice3A_663 = vector.extract_strided_slice %get3A_607 {offsets = [2, 0], sizes = [510, 256], strides = [1, 1]} : vector<512x256xf32> to vector<510x256xf32>
    %concatenate3A_664 = tpu.concatenate %slice3A_663, %broadcast_in_dim3A_662 in 0 : vector<510x256xf32>, vector<2x256xf32> -> vector<512x256xf32>
    %max3A_665 = arith.maximumf %max3A_635, %concatenate3A_664 : vector<512x256xf32>
    %convert_element_type3A_666 = arith.truncf %max3A_665 : vector<512x256xf32> to vector<512x256xbf16>
    %dot_general3A_667 = arith.constant dense<0.000000e+00> : vector<512x9xf32>
    %dot_general3A_668 = tpu.matmul %convert_element_type3A_666, %convert_element_type3A, %dot_general3A_667 {dimension_numbers = #tpu.dot_dimension_numbers<[1], [0], [0], [1], [0, 0, 1, 1], [], []>, transpose_lhs_hint = false} : vector<512x256xbf16>, vector<256x9xbf16>, vector<512x9xf32> -> vector<512x9xf32>
    %slice3A_669 = vector.extract_strided_slice %dot_general3A_11 {offsets = [2, 0], sizes = [1, 9], strides = [1, 1]} : vector<10x9xf32> to vector<1x9xf32>
    %add3A_670 = vector.broadcast %slice3A_669 : vector<1x9xf32> to vector<512x9xf32>
    %add3A_671 = arith.addf %dot_general3A_668, %add3A_670 : vector<512x9xf32>
    %add3A_672 = vector.broadcast %get3A_6 : vector<1x9xf32> to vector<512x9xf32>
    %add3A_673 = arith.addf %add3A_671, %add3A_672 : vector<512x9xf32>
    %iota3A_674 = tpu.iota {dimensions = array<i32: 1>} : vector<512x9xi32>
    %reduce_max3A_675 = arith.constant dense<0xFF800000> : vector<512xf32>
    %reduce_max3A_676 = vector.multi_reduction <maximumf>, %add3A_673, %reduce_max3A_675 [1] : vector<512x9xf32> to vector<512xf32>
    %broadcast_in_dim3A_677 = vector.shape_cast %reduce_max3A_676 : vector<512xf32> to vector<512x1xf32>
    %eq3A_678 = vector.broadcast %broadcast_in_dim3A_677 : vector<512x1xf32> to vector<512x9xf32>
    %eq3A_679 = arith.cmpf oeq, %add3A_673, %eq3A_678 : vector<512x9xf32>
    %jit3A_680 = arith.constant 9 : i32
    %broadcast_in_dim3A_681 = vector.broadcast %jit3A_680 : i32 to vector<512x9xi32>
    %select_n3A_682 = arith.select %eq3A_679, %iota3A_674, %broadcast_in_dim3A_681 : vector<512x9xi1>, vector<512x9xi32>
    %reduce_min3A_683 = arith.constant dense<2147483647> : vector<512xi32>
    %reduce_min3A_684 = vector.multi_reduction <minsi>, %select_n3A_682, %reduce_min3A_683 [1] : vector<512x9xi32> to vector<512xi32>
    %broadcast_in_dim3A_685 = vector.shape_cast %reduce_min3A_684 : vector<512xi32> to vector<512x1xi32>
    %convert_element_type3A_686 = arith.sitofp %broadcast_in_dim3A_685 : vector<512x1xi32> to vector<512x1xf32>
    %broadcast_in_dim3A_687 = arith.constant 0.000000e+00 : f32
    %broadcast_in_dim3A_688 = vector.broadcast %broadcast_in_dim3A_687 : f32 to vector<512x6xf32>
    %concatenate3A_689 = tpu.concatenate %add3A_673, %convert_element_type3A_686, %broadcast_in_dim3A_688 in 1 : vector<512x9xf32>, vector<512x1xf32>, vector<512x6xf32> -> vector<512x16xf32>
    %slice3A_690 = vector.extract_strided_slice %get3A_607 {offsets = [511, 0], sizes = [1, 256], strides = [1, 1]} : vector<512x256xf32> to vector<1x256xf32>
    %broadcast_in_dim3A_691 = vector.shape_cast %slice3A_690 : vector<1x256xf32> to vector<1x256xf32>
    %broadcast_in_dim3A_692 = vector.broadcast %broadcast_in_dim3A_691 : vector<1x256xf32> to vector<3x256xf32>
    %slice3A_693 = vector.extract_strided_slice %get3A_607 {offsets = [3, 0], sizes = [509, 256], strides = [1, 1]} : vector<512x256xf32> to vector<509x256xf32>
    %concatenate3A_694 = tpu.concatenate %slice3A_693, %broadcast_in_dim3A_692 in 0 : vector<509x256xf32>, vector<3x256xf32> -> vector<512x256xf32>
    %max3A_695 = arith.maximumf %max3A_665, %concatenate3A_694 : vector<512x256xf32>
    %convert_element_type3A_696 = arith.truncf %max3A_695 : vector<512x256xf32> to vector<512x256xbf16>
    %dot_general3A_697 = arith.constant dense<0.000000e+00> : vector<512x9xf32>
    %dot_general3A_698 = tpu.matmul %convert_element_type3A_696, %convert_element_type3A, %dot_general3A_697 {dimension_numbers = #tpu.dot_dimension_numbers<[1], [0], [0], [1], [0, 0, 1, 1], [], []>, transpose_lhs_hint = false} : vector<512x256xbf16>, vector<256x9xbf16>, vector<512x9xf32> -> vector<512x9xf32>
    %slice3A_699 = vector.extract_strided_slice %dot_general3A_11 {offsets = [3, 0], sizes = [1, 9], strides = [1, 1]} : vector<10x9xf32> to vector<1x9xf32>
    %add3A_700 = vector.broadcast %slice3A_699 : vector<1x9xf32> to vector<512x9xf32>
    %add3A_701 = arith.addf %dot_general3A_698, %add3A_700 : vector<512x9xf32>
    %add3A_702 = vector.broadcast %get3A_6 : vector<1x9xf32> to vector<512x9xf32>
    %add3A_703 = arith.addf %add3A_701, %add3A_702 : vector<512x9xf32>
    %iota3A_704 = tpu.iota {dimensions = array<i32: 1>} : vector<512x9xi32>
    %reduce_max3A_705 = arith.constant dense<0xFF800000> : vector<512xf32>
    %reduce_max3A_706 = vector.multi_reduction <maximumf>, %add3A_703, %reduce_max3A_705 [1] : vector<512x9xf32> to vector<512xf32>
    %broadcast_in_dim3A_707 = vector.shape_cast %reduce_max3A_706 : vector<512xf32> to vector<512x1xf32>
    %eq3A_708 = vector.broadcast %broadcast_in_dim3A_707 : vector<512x1xf32> to vector<512x9xf32>
    %eq3A_709 = arith.cmpf oeq, %add3A_703, %eq3A_708 : vector<512x9xf32>
    %jit3A_710 = arith.constant 9 : i32
    %broadcast_in_dim3A_711 = vector.broadcast %jit3A_710 : i32 to vector<512x9xi32>
    %select_n3A_712 = arith.select %eq3A_709, %iota3A_704, %broadcast_in_dim3A_711 : vector<512x9xi1>, vector<512x9xi32>
    %reduce_min3A_713 = arith.constant dense<2147483647> : vector<512xi32>
    %reduce_min3A_714 = vector.multi_reduction <minsi>, %select_n3A_712, %reduce_min3A_713 [1] : vector<512x9xi32> to vector<512xi32>
    %broadcast_in_dim3A_715 = vector.shape_cast %reduce_min3A_714 : vector<512xi32> to vector<512x1xi32>
    %convert_element_type3A_716 = arith.sitofp %broadcast_in_dim3A_715 : vector<512x1xi32> to vector<512x1xf32>
    %broadcast_in_dim3A_717 = arith.constant 0.000000e+00 : f32
    %broadcast_in_dim3A_718 = vector.broadcast %broadcast_in_dim3A_717 : f32 to vector<512x6xf32>
    %concatenate3A_719 = tpu.concatenate %add3A_703, %convert_element_type3A_716, %broadcast_in_dim3A_718 in 1 : vector<512x9xf32>, vector<512x1xf32>, vector<512x6xf32> -> vector<512x16xf32>
    %concatenate3A_720 = tpu.concatenate %concatenate3A_512, %concatenate3A_542, %concatenate3A_572, %concatenate3A_602, %concatenate3A_631, %concatenate3A_659, %concatenate3A_689, %concatenate3A_719 in 1 : vector<512x16xf32>, vector<512x16xf32>, vector<512x16xf32>, vector<512x16xf32>, vector<512x16xf32>, vector<512x16xf32>, vector<512x16xf32>, vector<512x16xf32> -> vector<512x128xf32>
    %swap3A_721 = arith.constant 1024 : index
    %swap3A_722 = arith.constant 0 : index
    %swap3A_723 = vector.load %arg7[%swap3A_721, %swap3A_722] : memref<2561x128xf32, #tpu.memory_space<vmem>>, vector<512x128xf32>
    tpu.vector_store %arg7[%swap3A_721, %swap3A_722], %concatenate3A_720 {strides = array<i32>} : memref<2561x128xf32, #tpu.memory_space<vmem>>, vector<512x128xf32>,
    %slice3A_724 = vector.extract_strided_slice %get3A_607 {offsets = [511, 0], sizes = [1, 256], strides = [1, 1]} : vector<512x256xf32> to vector<1x256xf32>
    %broadcast_in_dim3A_725 = vector.shape_cast %slice3A_724 : vector<1x256xf32> to vector<1x256xf32>
    %broadcast_in_dim3A_726 = vector.broadcast %broadcast_in_dim3A_725 : vector<1x256xf32> to vector<4x256xf32>
    %slice3A_727 = vector.extract_strided_slice %get3A_607 {offsets = [4, 0], sizes = [508, 256], strides = [1, 1]} : vector<512x256xf32> to vector<508x256xf32>
    %concatenate3A_728 = tpu.concatenate %slice3A_727, %broadcast_in_dim3A_726 in 0 : vector<508x256xf32>, vector<4x256xf32> -> vector<512x256xf32>
    %max3A_729 = arith.maximumf %max3A_695, %concatenate3A_728 : vector<512x256xf32>
    %convert_element_type3A_730 = arith.truncf %max3A_729 : vector<512x256xf32> to vector<512x256xbf16>
    %dot_general3A_731 = arith.constant dense<0.000000e+00> : vector<512x9xf32>
    %dot_general3A_732 = tpu.matmul %convert_element_type3A_730, %convert_element_type3A, %dot_general3A_731 {dimension_numbers = #tpu.dot_dimension_numbers<[1], [0], [0], [1], [0, 0, 1, 1], [], []>, transpose_lhs_hint = false} : vector<512x256xbf16>, vector<256x9xbf16>, vector<512x9xf32> -> vector<512x9xf32>
    %slice3A_733 = vector.extract_strided_slice %dot_general3A_11 {offsets = [4, 0], sizes = [1, 9], strides = [1, 1]} : vector<10x9xf32> to vector<1x9xf32>
    %add3A_734 = vector.broadcast %slice3A_733 : vector<1x9xf32> to vector<512x9xf32>
    %add3A_735 = arith.addf %dot_general3A_732, %add3A_734 : vector<512x9xf32>
    %add3A_736 = vector.broadcast %get3A_6 : vector<1x9xf32> to vector<512x9xf32>
    %add3A_737 = arith.addf %add3A_735, %add3A_736 : vector<512x9xf32>
    %iota3A_738 = tpu.iota {dimensions = array<i32: 1>} : vector<512x9xi32>
    %reduce_max3A_739 = arith.constant dense<0xFF800000> : vector<512xf32>
    %reduce_max3A_740 = vector.multi_reduction <maximumf>, %add3A_737, %reduce_max3A_739 [1] : vector<512x9xf32> to vector<512xf32>
    %broadcast_in_dim3A_741 = vector.shape_cast %reduce_max3A_740 : vector<512xf32> to vector<512x1xf32>
    %eq3A_742 = vector.broadcast %broadcast_in_dim3A_741 : vector<512x1xf32> to vector<512x9xf32>
    %eq3A_743 = arith.cmpf oeq, %add3A_737, %eq3A_742 : vector<512x9xf32>
    %jit3A_744 = arith.constant 9 : i32
    %broadcast_in_dim3A_745 = vector.broadcast %jit3A_744 : i32 to vector<512x9xi32>
    %select_n3A_746 = arith.select %eq3A_743, %iota3A_738, %broadcast_in_dim3A_745 : vector<512x9xi1>, vector<512x9xi32>
    %reduce_min3A_747 = arith.constant dense<2147483647> : vector<512xi32>
    %reduce_min3A_748 = vector.multi_reduction <minsi>, %select_n3A_746, %reduce_min3A_747 [1] : vector<512x9xi32> to vector<512xi32>
    %broadcast_in_dim3A_749 = vector.shape_cast %reduce_min3A_748 : vector<512xi32> to vector<512x1xi32>
    %convert_element_type3A_750 = arith.sitofp %broadcast_in_dim3A_749 : vector<512x1xi32> to vector<512x1xf32>
    %broadcast_in_dim3A_751 = arith.constant 0.000000e+00 : f32
    %broadcast_in_dim3A_752 = vector.broadcast %broadcast_in_dim3A_751 : f32 to vector<512x6xf32>
    %concatenate3A_753 = tpu.concatenate %add3A_737, %convert_element_type3A_750, %broadcast_in_dim3A_752 in 1 : vector<512x9xf32>, vector<512x1xf32>, vector<512x6xf32> -> vector<512x16xf32>
    %slice3A_754 = vector.extract_strided_slice %get3A_607 {offsets = [511, 0], sizes = [1, 256], strides = [1, 1]} : vector<512x256xf32> to vector<1x256xf32>
    %broadcast_in_dim3A_755 = vector.shape_cast %slice3A_754 : vector<1x256xf32> to vector<1x256xf32>
    %broadcast_in_dim3A_756 = vector.broadcast %broadcast_in_dim3A_755 : vector<1x256xf32> to vector<5x256xf32>
    %slice3A_757 = vector.extract_strided_slice %get3A_607 {offsets = [5, 0], sizes = [507, 256], strides = [1, 1]} : vector<512x256xf32> to vector<507x256xf32>
    %concatenate3A_758 = tpu.concatenate %slice3A_757, %broadcast_in_dim3A_756 in 0 : vector<507x256xf32>, vector<5x256xf32> -> vector<512x256xf32>
    %max3A_759 = arith.maximumf %max3A_729, %concatenate3A_758 : vector<512x256xf32>
    %convert_element_type3A_760 = arith.truncf %max3A_759 : vector<512x256xf32> to vector<512x256xbf16>
    %dot_general3A_761 = arith.constant dense<0.000000e+00> : vector<512x9xf32>
    %dot_general3A_762 = tpu.matmul %convert_element_type3A_760, %convert_element_type3A, %dot_general3A_761 {dimension_numbers = #tpu.dot_dimension_numbers<[1], [0], [0], [1], [0, 0, 1, 1], [], []>, transpose_lhs_hint = false} : vector<512x256xbf16>, vector<256x9xbf16>, vector<512x9xf32> -> vector<512x9xf32>
    %slice3A_763 = vector.extract_strided_slice %dot_general3A_11 {offsets = [5, 0], sizes = [1, 9], strides = [1, 1]} : vector<10x9xf32> to vector<1x9xf32>
    %add3A_764 = vector.broadcast %slice3A_763 : vector<1x9xf32> to vector<512x9xf32>
    %add3A_765 = arith.addf %dot_general3A_762, %add3A_764 : vector<512x9xf32>
    %add3A_766 = vector.broadcast %get3A_6 : vector<1x9xf32> to vector<512x9xf32>
    %add3A_767 = arith.addf %add3A_765, %add3A_766 : vector<512x9xf32>
    %iota3A_768 = tpu.iota {dimensions = array<i32: 1>} : vector<512x9xi32>
    %reduce_max3A_769 = arith.constant dense<0xFF800000> : vector<512xf32>
    %reduce_max3A_770 = vector.multi_reduction <maximumf>, %add3A_767, %reduce_max3A_769 [1] : vector<512x9xf32> to vector<512xf32>
    %broadcast_in_dim3A_771 = vector.shape_cast %reduce_max3A_770 : vector<512xf32> to vector<512x1xf32>
    %eq3A_772 = vector.broadcast %broadcast_in_dim3A_771 : vector<512x1xf32> to vector<512x9xf32>
    %eq3A_773 = arith.cmpf oeq, %add3A_767, %eq3A_772 : vector<512x9xf32>
    %jit3A_774 = arith.constant 9 : i32
    %broadcast_in_dim3A_775 = vector.broadcast %jit3A_774 : i32 to vector<512x9xi32>
    %select_n3A_776 = arith.select %eq3A_773, %iota3A_768, %broadcast_in_dim3A_775 : vector<512x9xi1>, vector<512x9xi32>
    %reduce_min3A_777 = arith.constant dense<2147483647> : vector<512xi32>
    %reduce_min3A_778 = vector.multi_reduction <minsi>, %select_n3A_776, %reduce_min3A_777 [1] : vector<512x9xi32> to vector<512xi32>
    %broadcast_in_dim3A_779 = vector.shape_cast %reduce_min3A_778 : vector<512xi32> to vector<512x1xi32>
    %convert_element_type3A_780 = arith.sitofp %broadcast_in_dim3A_779 : vector<512x1xi32> to vector<512x1xf32>
    %broadcast_in_dim3A_781 = arith.constant 0.000000e+00 : f32
    %broadcast_in_dim3A_782 = vector.broadcast %broadcast_in_dim3A_781 : f32 to vector<512x6xf32>
    %concatenate3A_783 = tpu.concatenate %add3A_767, %convert_element_type3A_780, %broadcast_in_dim3A_782 in 1 : vector<512x9xf32>, vector<512x1xf32>, vector<512x6xf32> -> vector<512x16xf32>
    %slice3A_784 = vector.extract_strided_slice %get3A_607 {offsets = [511, 0], sizes = [1, 256], strides = [1, 1]} : vector<512x256xf32> to vector<1x256xf32>
    %broadcast_in_dim3A_785 = vector.shape_cast %slice3A_784 : vector<1x256xf32> to vector<1x256xf32>
    %broadcast_in_dim3A_786 = vector.broadcast %broadcast_in_dim3A_785 : vector<1x256xf32> to vector<6x256xf32>
    %slice3A_787 = vector.extract_strided_slice %get3A_607 {offsets = [6, 0], sizes = [506, 256], strides = [1, 1]} : vector<512x256xf32> to vector<506x256xf32>
    %concatenate3A_788 = tpu.concatenate %slice3A_787, %broadcast_in_dim3A_786 in 0 : vector<506x256xf32>, vector<6x256xf32> -> vector<512x256xf32>
    %max3A_789 = arith.maximumf %max3A_759, %concatenate3A_788 : vector<512x256xf32>
    %convert_element_type3A_790 = arith.truncf %max3A_789 : vector<512x256xf32> to vector<512x256xbf16>
    %dot_general3A_791 = arith.constant dense<0.000000e+00> : vector<512x9xf32>
    %dot_general3A_792 = tpu.matmul %convert_element_type3A_790, %convert_element_type3A, %dot_general3A_791 {dimension_numbers = #tpu.dot_dimension_numbers<[1], [0], [0], [1], [0, 0, 1, 1], [], []>, transpose_lhs_hint = false} : vector<512x256xbf16>, vector<256x9xbf16>, vector<512x9xf32> -> vector<512x9xf32>
    %slice3A_793 = vector.extract_strided_slice %dot_general3A_11 {offsets = [6, 0], sizes = [1, 9], strides = [1, 1]} : vector<10x9xf32> to vector<1x9xf32>
    %add3A_794 = vector.broadcast %slice3A_793 : vector<1x9xf32> to vector<512x9xf32>
    %add3A_795 = arith.addf %dot_general3A_792, %add3A_794 : vector<512x9xf32>
    %add3A_796 = vector.broadcast %get3A_6 : vector<1x9xf32> to vector<512x9xf32>
    %add3A_797 = arith.addf %add3A_795, %add3A_796 : vector<512x9xf32>
    %iota3A_798 = tpu.iota {dimensions = array<i32: 1>} : vector<512x9xi32>
    %reduce_max3A_799 = arith.constant dense<0xFF800000> : vector<512xf32>
    %reduce_max3A_800 = vector.multi_reduction <maximumf>, %add3A_797, %reduce_max3A_799 [1] : vector<512x9xf32> to vector<512xf32>
    %broadcast_in_dim3A_801 = vector.shape_cast %reduce_max3A_800 : vector<512xf32> to vector<512x1xf32>
    %eq3A_802 = vector.broadcast %broadcast_in_dim3A_801 : vector<512x1xf32> to vector<512x9xf32>
    %eq3A_803 = arith.cmpf oeq, %add3A_797, %eq3A_802 : vector<512x9xf32>
    %jit3A_804 = arith.constant 9 : i32
    %broadcast_in_dim3A_805 = vector.broadcast %jit3A_804 : i32 to vector<512x9xi32>
    %select_n3A_806 = arith.select %eq3A_803, %iota3A_798, %broadcast_in_dim3A_805 : vector<512x9xi1>, vector<512x9xi32>
    %reduce_min3A_807 = arith.constant dense<2147483647> : vector<512xi32>
    %reduce_min3A_808 = vector.multi_reduction <minsi>, %select_n3A_806, %reduce_min3A_807 [1] : vector<512x9xi32> to vector<512xi32>
    %broadcast_in_dim3A_809 = vector.shape_cast %reduce_min3A_808 : vector<512xi32> to vector<512x1xi32>
    %convert_element_type3A_810 = arith.sitofp %broadcast_in_dim3A_809 : vector<512x1xi32> to vector<512x1xf32>
    %broadcast_in_dim3A_811 = arith.constant 0.000000e+00 : f32
    %broadcast_in_dim3A_812 = vector.broadcast %broadcast_in_dim3A_811 : f32 to vector<512x6xf32>
    %concatenate3A_813 = tpu.concatenate %add3A_797, %convert_element_type3A_810, %broadcast_in_dim3A_812 in 1 : vector<512x9xf32>, vector<512x1xf32>, vector<512x6xf32> -> vector<512x16xf32>
    %slice3A_814 = vector.extract_strided_slice %get3A_607 {offsets = [511, 0], sizes = [1, 256], strides = [1, 1]} : vector<512x256xf32> to vector<1x256xf32>
    %broadcast_in_dim3A_815 = vector.shape_cast %slice3A_814 : vector<1x256xf32> to vector<1x256xf32>
    %broadcast_in_dim3A_816 = vector.broadcast %broadcast_in_dim3A_815 : vector<1x256xf32> to vector<7x256xf32>
    %slice3A_817 = vector.extract_strided_slice %get3A_607 {offsets = [7, 0], sizes = [505, 256], strides = [1, 1]} : vector<512x256xf32> to vector<505x256xf32>
    %concatenate3A_818 = tpu.concatenate %slice3A_817, %broadcast_in_dim3A_816 in 0 : vector<505x256xf32>, vector<7x256xf32> -> vector<512x256xf32>
    %max3A_819 = arith.maximumf %max3A_789, %concatenate3A_818 : vector<512x256xf32>
    %convert_element_type3A_820 = arith.truncf %max3A_819 : vector<512x256xf32> to vector<512x256xbf16>
    %dot_general3A_821 = arith.constant dense<0.000000e+00> : vector<512x9xf32>
    %dot_general3A_822 = tpu.matmul %convert_element_type3A_820, %convert_element_type3A, %dot_general3A_821 {dimension_numbers = #tpu.dot_dimension_numbers<[1], [0], [0], [1], [0, 0, 1, 1], [], []>, transpose_lhs_hint = false} : vector<512x256xbf16>, vector<256x9xbf16>, vector<512x9xf32> -> vector<512x9xf32>
    %slice3A_823 = vector.extract_strided_slice %dot_general3A_11 {offsets = [7, 0], sizes = [1, 9], strides = [1, 1]} : vector<10x9xf32> to vector<1x9xf32>
    %add3A_824 = vector.broadcast %slice3A_823 : vector<1x9xf32> to vector<512x9xf32>
    %add3A_825 = arith.addf %dot_general3A_822, %add3A_824 : vector<512x9xf32>
    %add3A_826 = vector.broadcast %get3A_6 : vector<1x9xf32> to vector<512x9xf32>
    %add3A_827 = arith.addf %add3A_825, %add3A_826 : vector<512x9xf32>
    %iota3A_828 = tpu.iota {dimensions = array<i32: 1>} : vector<512x9xi32>
    %reduce_max3A_829 = arith.constant dense<0xFF800000> : vector<512xf32>
    %reduce_max3A_830 = vector.multi_reduction <maximumf>, %add3A_827, %reduce_max3A_829 [1] : vector<512x9xf32> to vector<512xf32>
    %broadcast_in_dim3A_831 = vector.shape_cast %reduce_max3A_830 : vector<512xf32> to vector<512x1xf32>
    %eq3A_832 = vector.broadcast %broadcast_in_dim3A_831 : vector<512x1xf32> to vector<512x9xf32>
    %eq3A_833 = arith.cmpf oeq, %add3A_827, %eq3A_832 : vector<512x9xf32>
    %jit3A_834 = arith.constant 9 : i32
    %broadcast_in_dim3A_835 = vector.broadcast %jit3A_834 : i32 to vector<512x9xi32>
    %select_n3A_836 = arith.select %eq3A_833, %iota3A_828, %broadcast_in_dim3A_835 : vector<512x9xi1>, vector<512x9xi32>
    %reduce_min3A_837 = arith.constant dense<2147483647> : vector<512xi32>
    %reduce_min3A_838 = vector.multi_reduction <minsi>, %select_n3A_836, %reduce_min3A_837 [1] : vector<512x9xi32> to vector<512xi32>
    %broadcast_in_dim3A_839 = vector.shape_cast %reduce_min3A_838 : vector<512xi32> to vector<512x1xi32>
    %convert_element_type3A_840 = arith.sitofp %broadcast_in_dim3A_839 : vector<512x1xi32> to vector<512x1xf32>
    %broadcast_in_dim3A_841 = arith.constant 0.000000e+00 : f32
    %broadcast_in_dim3A_842 = vector.broadcast %broadcast_in_dim3A_841 : f32 to vector<512x6xf32>
    %concatenate3A_843 = tpu.concatenate %add3A_827, %convert_element_type3A_840, %broadcast_in_dim3A_842 in 1 : vector<512x9xf32>, vector<512x1xf32>, vector<512x6xf32> -> vector<512x16xf32>
    %slice3A_844 = vector.extract_strided_slice %get3A_607 {offsets = [511, 0], sizes = [1, 256], strides = [1, 1]} : vector<512x256xf32> to vector<1x256xf32>
    %broadcast_in_dim3A_845 = vector.shape_cast %slice3A_844 : vector<1x256xf32> to vector<1x256xf32>
    %broadcast_in_dim3A_846 = vector.broadcast %broadcast_in_dim3A_845 : vector<1x256xf32> to vector<8x256xf32>
    %slice3A_847 = vector.extract_strided_slice %get3A_607 {offsets = [8, 0], sizes = [504, 256], strides = [1, 1]} : vector<512x256xf32> to vector<504x256xf32>
    %concatenate3A_848 = tpu.concatenate %slice3A_847, %broadcast_in_dim3A_846 in 0 : vector<504x256xf32>, vector<8x256xf32> -> vector<512x256xf32>
    %max3A_849 = arith.maximumf %max3A_819, %concatenate3A_848 : vector<512x256xf32>
    %convert_element_type3A_850 = arith.truncf %max3A_849 : vector<512x256xf32> to vector<512x256xbf16>
    %dot_general3A_851 = arith.constant dense<0.000000e+00> : vector<512x9xf32>
    %dot_general3A_852 = tpu.matmul %convert_element_type3A_850, %convert_element_type3A, %dot_general3A_851 {dimension_numbers = #tpu.dot_dimension_numbers<[1], [0], [0], [1], [0, 0, 1, 1], [], []>, transpose_lhs_hint = false} : vector<512x256xbf16>, vector<256x9xbf16>, vector<512x9xf32> -> vector<512x9xf32>
    %slice3A_853 = vector.extract_strided_slice %dot_general3A_11 {offsets = [8, 0], sizes = [1, 9], strides = [1, 1]} : vector<10x9xf32> to vector<1x9xf32>
    %add3A_854 = vector.broadcast %slice3A_853 : vector<1x9xf32> to vector<512x9xf32>
    %add3A_855 = arith.addf %dot_general3A_852, %add3A_854 : vector<512x9xf32>
    %add3A_856 = vector.broadcast %get3A_6 : vector<1x9xf32> to vector<512x9xf32>
    %add3A_857 = arith.addf %add3A_855, %add3A_856 : vector<512x9xf32>
    %iota3A_858 = tpu.iota {dimensions = array<i32: 1>} : vector<512x9xi32>
    %reduce_max3A_859 = arith.constant dense<0xFF800000> : vector<512xf32>
    %reduce_max3A_860 = vector.multi_reduction <maximumf>, %add3A_857, %reduce_max3A_859 [1] : vector<512x9xf32> to vector<512xf32>
    %broadcast_in_dim3A_861 = vector.shape_cast %reduce_max3A_860 : vector<512xf32> to vector<512x1xf32>
    %eq3A_862 = vector.broadcast %broadcast_in_dim3A_861 : vector<512x1xf32> to vector<512x9xf32>
    %eq3A_863 = arith.cmpf oeq, %add3A_857, %eq3A_862 : vector<512x9xf32>
    %jit3A_864 = arith.constant 9 : i32
    %broadcast_in_dim3A_865 = vector.broadcast %jit3A_864 : i32 to vector<512x9xi32>
    %select_n3A_866 = arith.select %eq3A_863, %iota3A_858, %broadcast_in_dim3A_865 : vector<512x9xi1>, vector<512x9xi32>
    %reduce_min3A_867 = arith.constant dense<2147483647> : vector<512xi32>
    %reduce_min3A_868 = vector.multi_reduction <minsi>, %select_n3A_866, %reduce_min3A_867 [1] : vector<512x9xi32> to vector<512xi32>
    %broadcast_in_dim3A_869 = vector.shape_cast %reduce_min3A_868 : vector<512xi32> to vector<512x1xi32>
    %convert_element_type3A_870 = arith.sitofp %broadcast_in_dim3A_869 : vector<512x1xi32> to vector<512x1xf32>
    %broadcast_in_dim3A_871 = arith.constant 0.000000e+00 : f32
    %broadcast_in_dim3A_872 = vector.broadcast %broadcast_in_dim3A_871 : f32 to vector<512x6xf32>
    %concatenate3A_873 = tpu.concatenate %add3A_857, %convert_element_type3A_870, %broadcast_in_dim3A_872 in 1 : vector<512x9xf32>, vector<512x1xf32>, vector<512x6xf32> -> vector<512x16xf32>
    %slice3A_874 = vector.extract_strided_slice %get3A_607 {offsets = [511, 0], sizes = [1, 256], strides = [1, 1]} : vector<512x256xf32> to vector<1x256xf32>
    %broadcast_in_dim3A_875 = vector.shape_cast %slice3A_874 : vector<1x256xf32> to vector<1x256xf32>
    %broadcast_in_dim3A_876 = vector.broadcast %broadcast_in_dim3A_875 : vector<1x256xf32> to vector<9x256xf32>
    %slice3A_877 = vector.extract_strided_slice %get3A_607 {offsets = [9, 0], sizes = [503, 256], strides = [1, 1]} : vector<512x256xf32> to vector<503x256xf32>
    %concatenate3A_878 = tpu.concatenate %slice3A_877, %broadcast_in_dim3A_876 in 0 : vector<503x256xf32>, vector<9x256xf32> -> vector<512x256xf32>
    %max3A_879 = arith.maximumf %max3A_849, %concatenate3A_878 : vector<512x256xf32>
    %convert_element_type3A_880 = arith.truncf %max3A_879 : vector<512x256xf32> to vector<512x256xbf16>
    %dot_general3A_881 = arith.constant dense<0.000000e+00> : vector<512x9xf32>
    %dot_general3A_882 = tpu.matmul %convert_element_type3A_880, %convert_element_type3A, %dot_general3A_881 {dimension_numbers = #tpu.dot_dimension_numbers<[1], [0], [0], [1], [0, 0, 1, 1], [], []>, transpose_lhs_hint = false} : vector<512x256xbf16>, vector<256x9xbf16>, vector<512x9xf32> -> vector<512x9xf32>
    %slice3A_883 = vector.extract_strided_slice %dot_general3A_11 {offsets = [9, 0], sizes = [1, 9], strides = [1, 1]} : vector<10x9xf32> to vector<1x9xf32>
    %add3A_884 = vector.broadcast %slice3A_883 : vector<1x9xf32> to vector<512x9xf32>
    %add3A_885 = arith.addf %dot_general3A_882, %add3A_884 : vector<512x9xf32>
    %add3A_886 = vector.broadcast %get3A_6 : vector<1x9xf32> to vector<512x9xf32>
    %add3A_887 = arith.addf %add3A_885, %add3A_886 : vector<512x9xf32>
    %iota3A_888 = tpu.iota {dimensions = array<i32: 1>} : vector<512x9xi32>
    %reduce_max3A_889 = arith.constant dense<0xFF800000> : vector<512xf32>
    %reduce_max3A_890 = vector.multi_reduction <maximumf>, %add3A_887, %reduce_max3A_889 [1] : vector<512x9xf32> to vector<512xf32>
    %broadcast_in_dim3A_891 = vector.shape_cast %reduce_max3A_890 : vector<512xf32> to vector<512x1xf32>
    %eq3A_892 = vector.broadcast %broadcast_in_dim3A_891 : vector<512x1xf32> to vector<512x9xf32>
    %eq3A_893 = arith.cmpf oeq, %add3A_887, %eq3A_892 : vector<512x9xf32>
    %jit3A_894 = arith.constant 9 : i32
    %broadcast_in_dim3A_895 = vector.broadcast %jit3A_894 : i32 to vector<512x9xi32>
    %select_n3A_896 = arith.select %eq3A_893, %iota3A_888, %broadcast_in_dim3A_895 : vector<512x9xi1>, vector<512x9xi32>
    %reduce_min3A_897 = arith.constant dense<2147483647> : vector<512xi32>
    %reduce_min3A_898 = vector.multi_reduction <minsi>, %select_n3A_896, %reduce_min3A_897 [1] : vector<512x9xi32> to vector<512xi32>
    %broadcast_in_dim3A_899 = vector.shape_cast %reduce_min3A_898 : vector<512xi32> to vector<512x1xi32>
    %convert_element_type3A_900 = arith.sitofp %broadcast_in_dim3A_899 : vector<512x1xi32> to vector<512x1xf32>
    %broadcast_in_dim3A_901 = arith.constant 0.000000e+00 : f32
    %broadcast_in_dim3A_902 = vector.broadcast %broadcast_in_dim3A_901 : f32 to vector<512x6xf32>
    %concatenate3A_903 = tpu.concatenate %add3A_887, %convert_element_type3A_900, %broadcast_in_dim3A_902 in 1 : vector<512x9xf32>, vector<512x1xf32>, vector<512x6xf32> -> vector<512x16xf32>
    %get3A_904 = arith.constant 3 : index
    %get3A_905 = arith.constant 0 : index
    %get3A_906 = arith.constant 0 : index
    %get3A_907 = vector.load %arg0[%get3A_904, %get3A_905, %get3A_906] : memref<4x512x256xf32, #tpu.memory_space<vmem>>, vector<1x512x256xf32>
    %get3A_908 = vector.shape_cast %get3A_907 : vector<1x512x256xf32> to vector<512x256xf32>
    %convert_element_type3A_909 = arith.truncf %get3A_908 : vector<512x256xf32> to vector<512x256xbf16>
    %dot_general3A_910 = arith.constant dense<0.000000e+00> : vector<512x9xf32>
    %dot_general3A_911 = tpu.matmul %convert_element_type3A_909, %convert_element_type3A, %dot_general3A_910 {dimension_numbers = #tpu.dot_dimension_numbers<[1], [0], [0], [1], [0, 0, 1, 1], [], []>, transpose_lhs_hint = false} : vector<512x256xbf16>, vector<256x9xbf16>, vector<512x9xf32> -> vector<512x9xf32>
    %slice3A_912 = vector.extract_strided_slice %dot_general3A_11 {offsets = [0, 0], sizes = [1, 9], strides = [1, 1]} : vector<10x9xf32> to vector<1x9xf32>
    %add3A_913 = vector.broadcast %slice3A_912 : vector<1x9xf32> to vector<512x9xf32>
    %add3A_914 = arith.addf %dot_general3A_911, %add3A_913 : vector<512x9xf32>
    %add3A_915 = vector.broadcast %get3A_6 : vector<1x9xf32> to vector<512x9xf32>
    %add3A_916 = arith.addf %add3A_914, %add3A_915 : vector<512x9xf32>
    %iota3A_917 = tpu.iota {dimensions = array<i32: 1>} : vector<512x9xi32>
    %reduce_max3A_918 = arith.constant dense<0xFF800000> : vector<512xf32>
    %reduce_max3A_919 = vector.multi_reduction <maximumf>, %add3A_916, %reduce_max3A_918 [1] : vector<512x9xf32> to vector<512xf32>
    %broadcast_in_dim3A_920 = vector.shape_cast %reduce_max3A_919 : vector<512xf32> to vector<512x1xf32>
    %eq3A_921 = vector.broadcast %broadcast_in_dim3A_920 : vector<512x1xf32> to vector<512x9xf32>
    %eq3A_922 = arith.cmpf oeq, %add3A_916, %eq3A_921 : vector<512x9xf32>
    %jit3A_923 = arith.constant 9 : i32
    %broadcast_in_dim3A_924 = vector.broadcast %jit3A_923 : i32 to vector<512x9xi32>
    %select_n3A_925 = arith.select %eq3A_922, %iota3A_917, %broadcast_in_dim3A_924 : vector<512x9xi1>, vector<512x9xi32>
    %reduce_min3A_926 = arith.constant dense<2147483647> : vector<512xi32>
    %reduce_min3A_927 = vector.multi_reduction <minsi>, %select_n3A_925, %reduce_min3A_926 [1] : vector<512x9xi32> to vector<512xi32>
    %broadcast_in_dim3A_928 = vector.shape_cast %reduce_min3A_927 : vector<512xi32> to vector<512x1xi32>
    %convert_element_type3A_929 = arith.sitofp %broadcast_in_dim3A_928 : vector<512x1xi32> to vector<512x1xf32>
    %broadcast_in_dim3A_930 = arith.constant 0.000000e+00 : f32
    %broadcast_in_dim3A_931 = vector.broadcast %broadcast_in_dim3A_930 : f32 to vector<512x6xf32>
    %concatenate3A_932 = tpu.concatenate %add3A_916, %convert_element_type3A_929, %broadcast_in_dim3A_931 in 1 : vector<512x9xf32>, vector<512x1xf32>, vector<512x6xf32> -> vector<512x16xf32>
    %slice3A_933 = vector.extract_strided_slice %get3A_908 {offsets = [511, 0], sizes = [1, 256], strides = [1, 1]} : vector<512x256xf32> to vector<1x256xf32>
    %slice3A_934 = vector.extract_strided_slice %get3A_908 {offsets = [1, 0], sizes = [511, 256], strides = [1, 1]} : vector<512x256xf32> to vector<511x256xf32>
    %concatenate3A_935 = tpu.concatenate %slice3A_934, %slice3A_933 in 0 : vector<511x256xf32>, vector<1x256xf32> -> vector<512x256xf32>
    %max3A_936 = arith.maximumf %get3A_908, %concatenate3A_935 : vector<512x256xf32>
    %convert_element_type3A_937 = arith.truncf %max3A_936 : vector<512x256xf32> to vector<512x256xbf16>
    %dot_general3A_938 = arith.constant dense<0.000000e+00> : vector<512x9xf32>
    %dot_general3A_939 = tpu.matmul %convert_element_type3A_937, %convert_element_type3A, %dot_general3A_938 {dimension_numbers = #tpu.dot_dimension_numbers<[1], [0], [0], [1], [0, 0, 1, 1], [], []>, transpose_lhs_hint = false} : vector<512x256xbf16>, vector<256x9xbf16>, vector<512x9xf32> -> vector<512x9xf32>
    %slice3A_940 = vector.extract_strided_slice %dot_general3A_11 {offsets = [1, 0], sizes = [1, 9], strides = [1, 1]} : vector<10x9xf32> to vector<1x9xf32>
    %add3A_941 = vector.broadcast %slice3A_940 : vector<1x9xf32> to vector<512x9xf32>
    %add3A_942 = arith.addf %dot_general3A_939, %add3A_941 : vector<512x9xf32>
    %add3A_943 = vector.broadcast %get3A_6 : vector<1x9xf32> to vector<512x9xf32>
    %add3A_944 = arith.addf %add3A_942, %add3A_943 : vector<512x9xf32>
    %iota3A_945 = tpu.iota {dimensions = array<i32: 1>} : vector<512x9xi32>
    %reduce_max3A_946 = arith.constant dense<0xFF800000> : vector<512xf32>
    %reduce_max3A_947 = vector.multi_reduction <maximumf>, %add3A_944, %reduce_max3A_946 [1] : vector<512x9xf32> to vector<512xf32>
    %broadcast_in_dim3A_948 = vector.shape_cast %reduce_max3A_947 : vector<512xf32> to vector<512x1xf32>
    %eq3A_949 = vector.broadcast %broadcast_in_dim3A_948 : vector<512x1xf32> to vector<512x9xf32>
    %eq3A_950 = arith.cmpf oeq, %add3A_944, %eq3A_949 : vector<512x9xf32>
    %jit3A_951 = arith.constant 9 : i32
    %broadcast_in_dim3A_952 = vector.broadcast %jit3A_951 : i32 to vector<512x9xi32>
    %select_n3A_953 = arith.select %eq3A_950, %iota3A_945, %broadcast_in_dim3A_952 : vector<512x9xi1>, vector<512x9xi32>
    %reduce_min3A_954 = arith.constant dense<2147483647> : vector<512xi32>
    %reduce_min3A_955 = vector.multi_reduction <minsi>, %select_n3A_953, %reduce_min3A_954 [1] : vector<512x9xi32> to vector<512xi32>
    %broadcast_in_dim3A_956 = vector.shape_cast %reduce_min3A_955 : vector<512xi32> to vector<512x1xi32>
    %convert_element_type3A_957 = arith.sitofp %broadcast_in_dim3A_956 : vector<512x1xi32> to vector<512x1xf32>
    %broadcast_in_dim3A_958 = arith.constant 0.000000e+00 : f32
    %broadcast_in_dim3A_959 = vector.broadcast %broadcast_in_dim3A_958 : f32 to vector<512x6xf32>
    %concatenate3A_960 = tpu.concatenate %add3A_944, %convert_element_type3A_957, %broadcast_in_dim3A_959 in 1 : vector<512x9xf32>, vector<512x1xf32>, vector<512x6xf32> -> vector<512x16xf32>
    %concatenate3A_961 = tpu.concatenate %concatenate3A_753, %concatenate3A_783, %concatenate3A_813, %concatenate3A_843, %concatenate3A_873, %concatenate3A_903, %concatenate3A_932, %concatenate3A_960 in 1 : vector<512x16xf32>, vector<512x16xf32>, vector<512x16xf32>, vector<512x16xf32>, vector<512x16xf32>, vector<512x16xf32>, vector<512x16xf32>, vector<512x16xf32> -> vector<512x128xf32>
    %swap3A_962 = arith.constant 1536 : index
    %swap3A_963 = arith.constant 0 : index
    %swap3A_964 = vector.load %arg7[%swap3A_962, %swap3A_963] : memref<2561x128xf32, #tpu.memory_space<vmem>>, vector<512x128xf32>
    tpu.vector_store %arg7[%swap3A_962, %swap3A_963], %concatenate3A_961 {strides = array<i32>} : memref<2561x128xf32, #tpu.memory_space<vmem>>, vector<512x128xf32>,
    %slice3A_965 = vector.extract_strided_slice %get3A_908 {offsets = [511, 0], sizes = [1, 256], strides = [1, 1]} : vector<512x256xf32> to vector<1x256xf32>
    %broadcast_in_dim3A_966 = vector.shape_cast %slice3A_965 : vector<1x256xf32> to vector<1x256xf32>
    %broadcast_in_dim3A_967 = vector.broadcast %broadcast_in_dim3A_966 : vector<1x256xf32> to vector<2x256xf32>
    %slice3A_968 = vector.extract_strided_slice %get3A_908 {offsets = [2, 0], sizes = [510, 256], strides = [1, 1]} : vector<512x256xf32> to vector<510x256xf32>
    %concatenate3A_969 = tpu.concatenate %slice3A_968, %broadcast_in_dim3A_967 in 0 : vector<510x256xf32>, vector<2x256xf32> -> vector<512x256xf32>
    %max3A_970 = arith.maximumf %max3A_936, %concatenate3A_969 : vector<512x256xf32>
    %convert_element_type3A_971 = arith.truncf %max3A_970 : vector<512x256xf32> to vector<512x256xbf16>
    %dot_general3A_972 = arith.constant dense<0.000000e+00> : vector<512x9xf32>
    %dot_general3A_973 = tpu.matmul %convert_element_type3A_971, %convert_element_type3A, %dot_general3A_972 {dimension_numbers = #tpu.dot_dimension_numbers<[1], [0], [0], [1], [0, 0, 1, 1], [], []>, transpose_lhs_hint = false} : vector<512x256xbf16>, vector<256x9xbf16>, vector<512x9xf32> -> vector<512x9xf32>
    %slice3A_974 = vector.extract_strided_slice %dot_general3A_11 {offsets = [2, 0], sizes = [1, 9], strides = [1, 1]} : vector<10x9xf32> to vector<1x9xf32>
    %add3A_975 = vector.broadcast %slice3A_974 : vector<1x9xf32> to vector<512x9xf32>
    %add3A_976 = arith.addf %dot_general3A_973, %add3A_975 : vector<512x9xf32>
    %add3A_977 = vector.broadcast %get3A_6 : vector<1x9xf32> to vector<512x9xf32>
    %add3A_978 = arith.addf %add3A_976, %add3A_977 : vector<512x9xf32>
    %iota3A_979 = tpu.iota {dimensions = array<i32: 1>} : vector<512x9xi32>
    %reduce_max3A_980 = arith.constant dense<0xFF800000> : vector<512xf32>
    %reduce_max3A_981 = vector.multi_reduction <maximumf>, %add3A_978, %reduce_max3A_980 [1] : vector<512x9xf32> to vector<512xf32>
    %broadcast_in_dim3A_982 = vector.shape_cast %reduce_max3A_981 : vector<512xf32> to vector<512x1xf32>
    %eq3A_983 = vector.broadcast %broadcast_in_dim3A_982 : vector<512x1xf32> to vector<512x9xf32>
    %eq3A_984 = arith.cmpf oeq, %add3A_978, %eq3A_983 : vector<512x9xf32>
    %jit3A_985 = arith.constant 9 : i32
    %broadcast_in_dim3A_986 = vector.broadcast %jit3A_985 : i32 to vector<512x9xi32>
    %select_n3A_987 = arith.select %eq3A_984, %iota3A_979, %broadcast_in_dim3A_986 : vector<512x9xi1>, vector<512x9xi32>
    %reduce_min3A_988 = arith.constant dense<2147483647> : vector<512xi32>
    %reduce_min3A_989 = vector.multi_reduction <minsi>, %select_n3A_987, %reduce_min3A_988 [1] : vector<512x9xi32> to vector<512xi32>
    %broadcast_in_dim3A_990 = vector.shape_cast %reduce_min3A_989 : vector<512xi32> to vector<512x1xi32>
    %convert_element_type3A_991 = arith.sitofp %broadcast_in_dim3A_990 : vector<512x1xi32> to vector<512x1xf32>
    %broadcast_in_dim3A_992 = arith.constant 0.000000e+00 : f32
    %broadcast_in_dim3A_993 = vector.broadcast %broadcast_in_dim3A_992 : f32 to vector<512x6xf32>
    %concatenate3A_994 = tpu.concatenate %add3A_978, %convert_element_type3A_991, %broadcast_in_dim3A_993 in 1 : vector<512x9xf32>, vector<512x1xf32>, vector<512x6xf32> -> vector<512x16xf32>
    %slice3A_995 = vector.extract_strided_slice %get3A_908 {offsets = [511, 0], sizes = [1, 256], strides = [1, 1]} : vector<512x256xf32> to vector<1x256xf32>
    %broadcast_in_dim3A_996 = vector.shape_cast %slice3A_995 : vector<1x256xf32> to vector<1x256xf32>
    %broadcast_in_dim3A_997 = vector.broadcast %broadcast_in_dim3A_996 : vector<1x256xf32> to vector<3x256xf32>
    %slice3A_998 = vector.extract_strided_slice %get3A_908 {offsets = [3, 0], sizes = [509, 256], strides = [1, 1]} : vector<512x256xf32> to vector<509x256xf32>
    %concatenate3A_999 = tpu.concatenate %slice3A_998, %broadcast_in_dim3A_997 in 0 : vector<509x256xf32>, vector<3x256xf32> -> vector<512x256xf32>
    %max3A_1000 = arith.maximumf %max3A_970, %concatenate3A_999 : vector<512x256xf32>
    %convert_element_type3A_1001 = arith.truncf %max3A_1000 : vector<512x256xf32> to vector<512x256xbf16>
    %dot_general3A_1002 = arith.constant dense<0.000000e+00> : vector<512x9xf32>
    %dot_general3A_1003 = tpu.matmul %convert_element_type3A_1001, %convert_element_type3A, %dot_general3A_1002 {dimension_numbers = #tpu.dot_dimension_numbers<[1], [0], [0], [1], [0, 0, 1, 1], [], []>, transpose_lhs_hint = false} : vector<512x256xbf16>, vector<256x9xbf16>, vector<512x9xf32> -> vector<512x9xf32>
    %slice3A_1004 = vector.extract_strided_slice %dot_general3A_11 {offsets = [3, 0], sizes = [1, 9], strides = [1, 1]} : vector<10x9xf32> to vector<1x9xf32>
    %add3A_1005 = vector.broadcast %slice3A_1004 : vector<1x9xf32> to vector<512x9xf32>
    %add3A_1006 = arith.addf %dot_general3A_1003, %add3A_1005 : vector<512x9xf32>
    %add3A_1007 = vector.broadcast %get3A_6 : vector<1x9xf32> to vector<512x9xf32>
    %add3A_1008 = arith.addf %add3A_1006, %add3A_1007 : vector<512x9xf32>
    %iota3A_1009 = tpu.iota {dimensions = array<i32: 1>} : vector<512x9xi32>
    %reduce_max3A_1010 = arith.constant dense<0xFF800000> : vector<512xf32>
    %reduce_max3A_1011 = vector.multi_reduction <maximumf>, %add3A_1008, %reduce_max3A_1010 [1] : vector<512x9xf32> to vector<512xf32>
    %broadcast_in_dim3A_1012 = vector.shape_cast %reduce_max3A_1011 : vector<512xf32> to vector<512x1xf32>
    %eq3A_1013 = vector.broadcast %broadcast_in_dim3A_1012 : vector<512x1xf32> to vector<512x9xf32>
    %eq3A_1014 = arith.cmpf oeq, %add3A_1008, %eq3A_1013 : vector<512x9xf32>
    %jit3A_1015 = arith.constant 9 : i32
    %broadcast_in_dim3A_1016 = vector.broadcast %jit3A_1015 : i32 to vector<512x9xi32>
    %select_n3A_1017 = arith.select %eq3A_1014, %iota3A_1009, %broadcast_in_dim3A_1016 : vector<512x9xi1>, vector<512x9xi32>
    %reduce_min3A_1018 = arith.constant dense<2147483647> : vector<512xi32>
    %reduce_min3A_1019 = vector.multi_reduction <minsi>, %select_n3A_1017, %reduce_min3A_1018 [1] : vector<512x9xi32> to vector<512xi32>
    %broadcast_in_dim3A_1020 = vector.shape_cast %reduce_min3A_1019 : vector<512xi32> to vector<512x1xi32>
    %convert_element_type3A_1021 = arith.sitofp %broadcast_in_dim3A_1020 : vector<512x1xi32> to vector<512x1xf32>
    %broadcast_in_dim3A_1022 = arith.constant 0.000000e+00 : f32
    %broadcast_in_dim3A_1023 = vector.broadcast %broadcast_in_dim3A_1022 : f32 to vector<512x6xf32>
    %concatenate3A_1024 = tpu.concatenate %add3A_1008, %convert_element_type3A_1021, %broadcast_in_dim3A_1023 in 1 : vector<512x9xf32>, vector<512x1xf32>, vector<512x6xf32> -> vector<512x16xf32>
    %slice3A_1025 = vector.extract_strided_slice %get3A_908 {offsets = [511, 0], sizes = [1, 256], strides = [1, 1]} : vector<512x256xf32> to vector<1x256xf32>
    %broadcast_in_dim3A_1026 = vector.shape_cast %slice3A_1025 : vector<1x256xf32> to vector<1x256xf32>
    %broadcast_in_dim3A_1027 = vector.broadcast %broadcast_in_dim3A_1026 : vector<1x256xf32> to vector<4x256xf32>
    %slice3A_1028 = vector.extract_strided_slice %get3A_908 {offsets = [4, 0], sizes = [508, 256], strides = [1, 1]} : vector<512x256xf32> to vector<508x256xf32>
    %concatenate3A_1029 = tpu.concatenate %slice3A_1028, %broadcast_in_dim3A_1027 in 0 : vector<508x256xf32>, vector<4x256xf32> -> vector<512x256xf32>
    %max3A_1030 = arith.maximumf %max3A_1000, %concatenate3A_1029 : vector<512x256xf32>
    %convert_element_type3A_1031 = arith.truncf %max3A_1030 : vector<512x256xf32> to vector<512x256xbf16>
    %dot_general3A_1032 = arith.constant dense<0.000000e+00> : vector<512x9xf32>
    %dot_general3A_1033 = tpu.matmul %convert_element_type3A_1031, %convert_element_type3A, %dot_general3A_1032 {dimension_numbers = #tpu.dot_dimension_numbers<[1], [0], [0], [1], [0, 0, 1, 1], [], []>, transpose_lhs_hint = false} : vector<512x256xbf16>, vector<256x9xbf16>, vector<512x9xf32> -> vector<512x9xf32>
    %slice3A_1034 = vector.extract_strided_slice %dot_general3A_11 {offsets = [4, 0], sizes = [1, 9], strides = [1, 1]} : vector<10x9xf32> to vector<1x9xf32>
    %add3A_1035 = vector.broadcast %slice3A_1034 : vector<1x9xf32> to vector<512x9xf32>
    %add3A_1036 = arith.addf %dot_general3A_1033, %add3A_1035 : vector<512x9xf32>
    %add3A_1037 = vector.broadcast %get3A_6 : vector<1x9xf32> to vector<512x9xf32>
    %add3A_1038 = arith.addf %add3A_1036, %add3A_1037 : vector<512x9xf32>
    %iota3A_1039 = tpu.iota {dimensions = array<i32: 1>} : vector<512x9xi32>
    %reduce_max3A_1040 = arith.constant dense<0xFF800000> : vector<512xf32>
    %reduce_max3A_1041 = vector.multi_reduction <maximumf>, %add3A_1038, %reduce_max3A_1040 [1] : vector<512x9xf32> to vector<512xf32>
    %broadcast_in_dim3A_1042 = vector.shape_cast %reduce_max3A_1041 : vector<512xf32> to vector<512x1xf32>
    %eq3A_1043 = vector.broadcast %broadcast_in_dim3A_1042 : vector<512x1xf32> to vector<512x9xf32>
    %eq3A_1044 = arith.cmpf oeq, %add3A_1038, %eq3A_1043 : vector<512x9xf32>
    %jit3A_1045 = arith.constant 9 : i32
    %broadcast_in_dim3A_1046 = vector.broadcast %jit3A_1045 : i32 to vector<512x9xi32>
    %select_n3A_1047 = arith.select %eq3A_1044, %iota3A_1039, %broadcast_in_dim3A_1046 : vector<512x9xi1>, vector<512x9xi32>
    %reduce_min3A_1048 = arith.constant dense<2147483647> : vector<512xi32>
    %reduce_min3A_1049 = vector.multi_reduction <minsi>, %select_n3A_1047, %reduce_min3A_1048 [1] : vector<512x9xi32> to vector<512xi32>
    %broadcast_in_dim3A_1050 = vector.shape_cast %reduce_min3A_1049 : vector<512xi32> to vector<512x1xi32>
    %convert_element_type3A_1051 = arith.sitofp %broadcast_in_dim3A_1050 : vector<512x1xi32> to vector<512x1xf32>
    %broadcast_in_dim3A_1052 = arith.constant 0.000000e+00 : f32
    %broadcast_in_dim3A_1053 = vector.broadcast %broadcast_in_dim3A_1052 : f32 to vector<512x6xf32>
    %concatenate3A_1054 = tpu.concatenate %add3A_1038, %convert_element_type3A_1051, %broadcast_in_dim3A_1053 in 1 : vector<512x9xf32>, vector<512x1xf32>, vector<512x6xf32> -> vector<512x16xf32>
    %slice3A_1055 = vector.extract_strided_slice %get3A_908 {offsets = [511, 0], sizes = [1, 256], strides = [1, 1]} : vector<512x256xf32> to vector<1x256xf32>
    %broadcast_in_dim3A_1056 = vector.shape_cast %slice3A_1055 : vector<1x256xf32> to vector<1x256xf32>
    %broadcast_in_dim3A_1057 = vector.broadcast %broadcast_in_dim3A_1056 : vector<1x256xf32> to vector<5x256xf32>
    %slice3A_1058 = vector.extract_strided_slice %get3A_908 {offsets = [5, 0], sizes = [507, 256], strides = [1, 1]} : vector<512x256xf32> to vector<507x256xf32>
    %concatenate3A_1059 = tpu.concatenate %slice3A_1058, %broadcast_in_dim3A_1057 in 0 : vector<507x256xf32>, vector<5x256xf32> -> vector<512x256xf32>
    %max3A_1060 = arith.maximumf %max3A_1030, %concatenate3A_1059 : vector<512x256xf32>
    %convert_element_type3A_1061 = arith.truncf %max3A_1060 : vector<512x256xf32> to vector<512x256xbf16>
    %dot_general3A_1062 = arith.constant dense<0.000000e+00> : vector<512x9xf32>
    %dot_general3A_1063 = tpu.matmul %convert_element_type3A_1061, %convert_element_type3A, %dot_general3A_1062 {dimension_numbers = #tpu.dot_dimension_numbers<[1], [0], [0], [1], [0, 0, 1, 1], [], []>, transpose_lhs_hint = false} : vector<512x256xbf16>, vector<256x9xbf16>, vector<512x9xf32> -> vector<512x9xf32>
    %slice3A_1064 = vector.extract_strided_slice %dot_general3A_11 {offsets = [5, 0], sizes = [1, 9], strides = [1, 1]} : vector<10x9xf32> to vector<1x9xf32>
    %add3A_1065 = vector.broadcast %slice3A_1064 : vector<1x9xf32> to vector<512x9xf32>
    %add3A_1066 = arith.addf %dot_general3A_1063, %add3A_1065 : vector<512x9xf32>
    %add3A_1067 = vector.broadcast %get3A_6 : vector<1x9xf32> to vector<512x9xf32>
    %add3A_1068 = arith.addf %add3A_1066, %add3A_1067 : vector<512x9xf32>
    %iota3A_1069 = tpu.iota {dimensions = array<i32: 1>} : vector<512x9xi32>
    %reduce_max3A_1070 = arith.constant dense<0xFF800000> : vector<512xf32>
    %reduce_max3A_1071 = vector.multi_reduction <maximumf>, %add3A_1068, %reduce_max3A_1070 [1] : vector<512x9xf32> to vector<512xf32>
    %broadcast_in_dim3A_1072 = vector.shape_cast %reduce_max3A_1071 : vector<512xf32> to vector<512x1xf32>
    %eq3A_1073 = vector.broadcast %broadcast_in_dim3A_1072 : vector<512x1xf32> to vector<512x9xf32>
    %eq3A_1074 = arith.cmpf oeq, %add3A_1068, %eq3A_1073 : vector<512x9xf32>
    %jit3A_1075 = arith.constant 9 : i32
    %broadcast_in_dim3A_1076 = vector.broadcast %jit3A_1075 : i32 to vector<512x9xi32>
    %select_n3A_1077 = arith.select %eq3A_1074, %iota3A_1069, %broadcast_in_dim3A_1076 : vector<512x9xi1>, vector<512x9xi32>
    %reduce_min3A_1078 = arith.constant dense<2147483647> : vector<512xi32>
    %reduce_min3A_1079 = vector.multi_reduction <minsi>, %select_n3A_1077, %reduce_min3A_1078 [1] : vector<512x9xi32> to vector<512xi32>
    %broadcast_in_dim3A_1080 = vector.shape_cast %reduce_min3A_1079 : vector<512xi32> to vector<512x1xi32>
    %convert_element_type3A_1081 = arith.sitofp %broadcast_in_dim3A_1080 : vector<512x1xi32> to vector<512x1xf32>
    %broadcast_in_dim3A_1082 = arith.constant 0.000000e+00 : f32
    %broadcast_in_dim3A_1083 = vector.broadcast %broadcast_in_dim3A_1082 : f32 to vector<512x6xf32>
    %concatenate3A_1084 = tpu.concatenate %add3A_1068, %convert_element_type3A_1081, %broadcast_in_dim3A_1083 in 1 : vector<512x9xf32>, vector<512x1xf32>, vector<512x6xf32> -> vector<512x16xf32>
    %slice3A_1085 = vector.extract_strided_slice %get3A_908 {offsets = [511, 0], sizes = [1, 256], strides = [1, 1]} : vector<512x256xf32> to vector<1x256xf32>
    %broadcast_in_dim3A_1086 = vector.shape_cast %slice3A_1085 : vector<1x256xf32> to vector<1x256xf32>
    %broadcast_in_dim3A_1087 = vector.broadcast %broadcast_in_dim3A_1086 : vector<1x256xf32> to vector<6x256xf32>
    %slice3A_1088 = vector.extract_strided_slice %get3A_908 {offsets = [6, 0], sizes = [506, 256], strides = [1, 1]} : vector<512x256xf32> to vector<506x256xf32>
    %concatenate3A_1089 = tpu.concatenate %slice3A_1088, %broadcast_in_dim3A_1087 in 0 : vector<506x256xf32>, vector<6x256xf32> -> vector<512x256xf32>
    %max3A_1090 = arith.maximumf %max3A_1060, %concatenate3A_1089 : vector<512x256xf32>
    %convert_element_type3A_1091 = arith.truncf %max3A_1090 : vector<512x256xf32> to vector<512x256xbf16>
    %dot_general3A_1092 = arith.constant dense<0.000000e+00> : vector<512x9xf32>
    %dot_general3A_1093 = tpu.matmul %convert_element_type3A_1091, %convert_element_type3A, %dot_general3A_1092 {dimension_numbers = #tpu.dot_dimension_numbers<[1], [0], [0], [1], [0, 0, 1, 1], [], []>, transpose_lhs_hint = false} : vector<512x256xbf16>, vector<256x9xbf16>, vector<512x9xf32> -> vector<512x9xf32>
    %slice3A_1094 = vector.extract_strided_slice %dot_general3A_11 {offsets = [6, 0], sizes = [1, 9], strides = [1, 1]} : vector<10x9xf32> to vector<1x9xf32>
    %add3A_1095 = vector.broadcast %slice3A_1094 : vector<1x9xf32> to vector<512x9xf32>
    %add3A_1096 = arith.addf %dot_general3A_1093, %add3A_1095 : vector<512x9xf32>
    %add3A_1097 = vector.broadcast %get3A_6 : vector<1x9xf32> to vector<512x9xf32>
    %add3A_1098 = arith.addf %add3A_1096, %add3A_1097 : vector<512x9xf32>
    %iota3A_1099 = tpu.iota {dimensions = array<i32: 1>} : vector<512x9xi32>
    %reduce_max3A_1100 = arith.constant dense<0xFF800000> : vector<512xf32>
    %reduce_max3A_1101 = vector.multi_reduction <maximumf>, %add3A_1098, %reduce_max3A_1100 [1] : vector<512x9xf32> to vector<512xf32>
    %broadcast_in_dim3A_1102 = vector.shape_cast %reduce_max3A_1101 : vector<512xf32> to vector<512x1xf32>
    %eq3A_1103 = vector.broadcast %broadcast_in_dim3A_1102 : vector<512x1xf32> to vector<512x9xf32>
    %eq3A_1104 = arith.cmpf oeq, %add3A_1098, %eq3A_1103 : vector<512x9xf32>
    %jit3A_1105 = arith.constant 9 : i32
    %broadcast_in_dim3A_1106 = vector.broadcast %jit3A_1105 : i32 to vector<512x9xi32>
    %select_n3A_1107 = arith.select %eq3A_1104, %iota3A_1099, %broadcast_in_dim3A_1106 : vector<512x9xi1>, vector<512x9xi32>
    %reduce_min3A_1108 = arith.constant dense<2147483647> : vector<512xi32>
    %reduce_min3A_1109 = vector.multi_reduction <minsi>, %select_n3A_1107, %reduce_min3A_1108 [1] : vector<512x9xi32> to vector<512xi32>
    %broadcast_in_dim3A_1110 = vector.shape_cast %reduce_min3A_1109 : vector<512xi32> to vector<512x1xi32>
    %convert_element_type3A_1111 = arith.sitofp %broadcast_in_dim3A_1110 : vector<512x1xi32> to vector<512x1xf32>
    %broadcast_in_dim3A_1112 = arith.constant 0.000000e+00 : f32
    %broadcast_in_dim3A_1113 = vector.broadcast %broadcast_in_dim3A_1112 : f32 to vector<512x6xf32>
    %concatenate3A_1114 = tpu.concatenate %add3A_1098, %convert_element_type3A_1111, %broadcast_in_dim3A_1113 in 1 : vector<512x9xf32>, vector<512x1xf32>, vector<512x6xf32> -> vector<512x16xf32>
    %slice3A_1115 = vector.extract_strided_slice %get3A_908 {offsets = [511, 0], sizes = [1, 256], strides = [1, 1]} : vector<512x256xf32> to vector<1x256xf32>
    %broadcast_in_dim3A_1116 = vector.shape_cast %slice3A_1115 : vector<1x256xf32> to vector<1x256xf32>
    %broadcast_in_dim3A_1117 = vector.broadcast %broadcast_in_dim3A_1116 : vector<1x256xf32> to vector<7x256xf32>
    %slice3A_1118 = vector.extract_strided_slice %get3A_908 {offsets = [7, 0], sizes = [505, 256], strides = [1, 1]} : vector<512x256xf32> to vector<505x256xf32>
    %concatenate3A_1119 = tpu.concatenate %slice3A_1118, %broadcast_in_dim3A_1117 in 0 : vector<505x256xf32>, vector<7x256xf32> -> vector<512x256xf32>
    %max3A_1120 = arith.maximumf %max3A_1090, %concatenate3A_1119 : vector<512x256xf32>
    %convert_element_type3A_1121 = arith.truncf %max3A_1120 : vector<512x256xf32> to vector<512x256xbf16>
    %dot_general3A_1122 = arith.constant dense<0.000000e+00> : vector<512x9xf32>
    %dot_general3A_1123 = tpu.matmul %convert_element_type3A_1121, %convert_element_type3A, %dot_general3A_1122 {dimension_numbers = #tpu.dot_dimension_numbers<[1], [0], [0], [1], [0, 0, 1, 1], [], []>, transpose_lhs_hint = false} : vector<512x256xbf16>, vector<256x9xbf16>, vector<512x9xf32> -> vector<512x9xf32>
    %slice3A_1124 = vector.extract_strided_slice %dot_general3A_11 {offsets = [7, 0], sizes = [1, 9], strides = [1, 1]} : vector<10x9xf32> to vector<1x9xf32>
    %add3A_1125 = vector.broadcast %slice3A_1124 : vector<1x9xf32> to vector<512x9xf32>
    %add3A_1126 = arith.addf %dot_general3A_1123, %add3A_1125 : vector<512x9xf32>
    %add3A_1127 = vector.broadcast %get3A_6 : vector<1x9xf32> to vector<512x9xf32>
    %add3A_1128 = arith.addf %add3A_1126, %add3A_1127 : vector<512x9xf32>
    %iota3A_1129 = tpu.iota {dimensions = array<i32: 1>} : vector<512x9xi32>
    %reduce_max3A_1130 = arith.constant dense<0xFF800000> : vector<512xf32>
    %reduce_max3A_1131 = vector.multi_reduction <maximumf>, %add3A_1128, %reduce_max3A_1130 [1] : vector<512x9xf32> to vector<512xf32>
    %broadcast_in_dim3A_1132 = vector.shape_cast %reduce_max3A_1131 : vector<512xf32> to vector<512x1xf32>
    %eq3A_1133 = vector.broadcast %broadcast_in_dim3A_1132 : vector<512x1xf32> to vector<512x9xf32>
    %eq3A_1134 = arith.cmpf oeq, %add3A_1128, %eq3A_1133 : vector<512x9xf32>
    %jit3A_1135 = arith.constant 9 : i32
    %broadcast_in_dim3A_1136 = vector.broadcast %jit3A_1135 : i32 to vector<512x9xi32>
    %select_n3A_1137 = arith.select %eq3A_1134, %iota3A_1129, %broadcast_in_dim3A_1136 : vector<512x9xi1>, vector<512x9xi32>
    %reduce_min3A_1138 = arith.constant dense<2147483647> : vector<512xi32>
    %reduce_min3A_1139 = vector.multi_reduction <minsi>, %select_n3A_1137, %reduce_min3A_1138 [1] : vector<512x9xi32> to vector<512xi32>
    %broadcast_in_dim3A_1140 = vector.shape_cast %reduce_min3A_1139 : vector<512xi32> to vector<512x1xi32>
    %convert_element_type3A_1141 = arith.sitofp %broadcast_in_dim3A_1140 : vector<512x1xi32> to vector<512x1xf32>
    %broadcast_in_dim3A_1142 = arith.constant 0.000000e+00 : f32
    %broadcast_in_dim3A_1143 = vector.broadcast %broadcast_in_dim3A_1142 : f32 to vector<512x6xf32>
    %concatenate3A_1144 = tpu.concatenate %add3A_1128, %convert_element_type3A_1141, %broadcast_in_dim3A_1143 in 1 : vector<512x9xf32>, vector<512x1xf32>, vector<512x6xf32> -> vector<512x16xf32>
    %slice3A_1145 = vector.extract_strided_slice %get3A_908 {offsets = [511, 0], sizes = [1, 256], strides = [1, 1]} : vector<512x256xf32> to vector<1x256xf32>
    %broadcast_in_dim3A_1146 = vector.shape_cast %slice3A_1145 : vector<1x256xf32> to vector<1x256xf32>
    %broadcast_in_dim3A_1147 = vector.broadcast %broadcast_in_dim3A_1146 : vector<1x256xf32> to vector<8x256xf32>
    %slice3A_1148 = vector.extract_strided_slice %get3A_908 {offsets = [8, 0], sizes = [504, 256], strides = [1, 1]} : vector<512x256xf32> to vector<504x256xf32>
    %concatenate3A_1149 = tpu.concatenate %slice3A_1148, %broadcast_in_dim3A_1147 in 0 : vector<504x256xf32>, vector<8x256xf32> -> vector<512x256xf32>
    %max3A_1150 = arith.maximumf %max3A_1120, %concatenate3A_1149 : vector<512x256xf32>
    %convert_element_type3A_1151 = arith.truncf %max3A_1150 : vector<512x256xf32> to vector<512x256xbf16>
    %dot_general3A_1152 = arith.constant dense<0.000000e+00> : vector<512x9xf32>
    %dot_general3A_1153 = tpu.matmul %convert_element_type3A_1151, %convert_element_type3A, %dot_general3A_1152 {dimension_numbers = #tpu.dot_dimension_numbers<[1], [0], [0], [1], [0, 0, 1, 1], [], []>, transpose_lhs_hint = false} : vector<512x256xbf16>, vector<256x9xbf16>, vector<512x9xf32> -> vector<512x9xf32>
    %slice3A_1154 = vector.extract_strided_slice %dot_general3A_11 {offsets = [8, 0], sizes = [1, 9], strides = [1, 1]} : vector<10x9xf32> to vector<1x9xf32>
    %add3A_1155 = vector.broadcast %slice3A_1154 : vector<1x9xf32> to vector<512x9xf32>
    %add3A_1156 = arith.addf %dot_general3A_1153, %add3A_1155 : vector<512x9xf32>
    %add3A_1157 = vector.broadcast %get3A_6 : vector<1x9xf32> to vector<512x9xf32>
    %add3A_1158 = arith.addf %add3A_1156, %add3A_1157 : vector<512x9xf32>
    %iota3A_1159 = tpu.iota {dimensions = array<i32: 1>} : vector<512x9xi32>
    %reduce_max3A_1160 = arith.constant dense<0xFF800000> : vector<512xf32>
    %reduce_max3A_1161 = vector.multi_reduction <maximumf>, %add3A_1158, %reduce_max3A_1160 [1] : vector<512x9xf32> to vector<512xf32>
    %broadcast_in_dim3A_1162 = vector.shape_cast %reduce_max3A_1161 : vector<512xf32> to vector<512x1xf32>
    %eq3A_1163 = vector.broadcast %broadcast_in_dim3A_1162 : vector<512x1xf32> to vector<512x9xf32>
    %eq3A_1164 = arith.cmpf oeq, %add3A_1158, %eq3A_1163 : vector<512x9xf32>
    %jit3A_1165 = arith.constant 9 : i32
    %broadcast_in_dim3A_1166 = vector.broadcast %jit3A_1165 : i32 to vector<512x9xi32>
    %select_n3A_1167 = arith.select %eq3A_1164, %iota3A_1159, %broadcast_in_dim3A_1166 : vector<512x9xi1>, vector<512x9xi32>
    %reduce_min3A_1168 = arith.constant dense<2147483647> : vector<512xi32>
    %reduce_min3A_1169 = vector.multi_reduction <minsi>, %select_n3A_1167, %reduce_min3A_1168 [1] : vector<512x9xi32> to vector<512xi32>
    %broadcast_in_dim3A_1170 = vector.shape_cast %reduce_min3A_1169 : vector<512xi32> to vector<512x1xi32>
    %convert_element_type3A_1171 = arith.sitofp %broadcast_in_dim3A_1170 : vector<512x1xi32> to vector<512x1xf32>
    %broadcast_in_dim3A_1172 = arith.constant 0.000000e+00 : f32
    %broadcast_in_dim3A_1173 = vector.broadcast %broadcast_in_dim3A_1172 : f32 to vector<512x6xf32>
    %concatenate3A_1174 = tpu.concatenate %add3A_1158, %convert_element_type3A_1171, %broadcast_in_dim3A_1173 in 1 : vector<512x9xf32>, vector<512x1xf32>, vector<512x6xf32> -> vector<512x16xf32>
    %slice3A_1175 = vector.extract_strided_slice %get3A_908 {offsets = [511, 0], sizes = [1, 256], strides = [1, 1]} : vector<512x256xf32> to vector<1x256xf32>
    %broadcast_in_dim3A_1176 = vector.shape_cast %slice3A_1175 : vector<1x256xf32> to vector<1x256xf32>
    %broadcast_in_dim3A_1177 = vector.broadcast %broadcast_in_dim3A_1176 : vector<1x256xf32> to vector<9x256xf32>
    %slice3A_1178 = vector.extract_strided_slice %get3A_908 {offsets = [9, 0], sizes = [503, 256], strides = [1, 1]} : vector<512x256xf32> to vector<503x256xf32>
    %concatenate3A_1179 = tpu.concatenate %slice3A_1178, %broadcast_in_dim3A_1177 in 0 : vector<503x256xf32>, vector<9x256xf32> -> vector<512x256xf32>
    %max3A_1180 = arith.maximumf %max3A_1150, %concatenate3A_1179 : vector<512x256xf32>
    %convert_element_type3A_1181 = arith.truncf %max3A_1180 : vector<512x256xf32> to vector<512x256xbf16>
    %dot_general3A_1182 = arith.constant dense<0.000000e+00> : vector<512x9xf32>
    %dot_general3A_1183 = tpu.matmul %convert_element_type3A_1181, %convert_element_type3A, %dot_general3A_1182 {dimension_numbers = #tpu.dot_dimension_numbers<[1], [0], [0], [1], [0, 0, 1, 1], [], []>, transpose_lhs_hint = false} : vector<512x256xbf16>, vector<256x9xbf16>, vector<512x9xf32> -> vector<512x9xf32>
    %slice3A_1184 = vector.extract_strided_slice %dot_general3A_11 {offsets = [9, 0], sizes = [1, 9], strides = [1, 1]} : vector<10x9xf32> to vector<1x9xf32>
    %add3A_1185 = vector.broadcast %slice3A_1184 : vector<1x9xf32> to vector<512x9xf32>
    %add3A_1186 = arith.addf %dot_general3A_1183, %add3A_1185 : vector<512x9xf32>
    %add3A_1187 = vector.broadcast %get3A_6 : vector<1x9xf32> to vector<512x9xf32>
    %add3A_1188 = arith.addf %add3A_1186, %add3A_1187 : vector<512x9xf32>
    %iota3A_1189 = tpu.iota {dimensions = array<i32: 1>} : vector<512x9xi32>
    %reduce_max3A_1190 = arith.constant dense<0xFF800000> : vector<512xf32>
    %reduce_max3A_1191 = vector.multi_reduction <maximumf>, %add3A_1188, %reduce_max3A_1190 [1] : vector<512x9xf32> to vector<512xf32>
    %broadcast_in_dim3A_1192 = vector.shape_cast %reduce_max3A_1191 : vector<512xf32> to vector<512x1xf32>
    %eq3A_1193 = vector.broadcast %broadcast_in_dim3A_1192 : vector<512x1xf32> to vector<512x9xf32>
    %eq3A_1194 = arith.cmpf oeq, %add3A_1188, %eq3A_1193 : vector<512x9xf32>
    %jit3A_1195 = arith.constant 9 : i32
    %broadcast_in_dim3A_1196 = vector.broadcast %jit3A_1195 : i32 to vector<512x9xi32>
    %select_n3A_1197 = arith.select %eq3A_1194, %iota3A_1189, %broadcast_in_dim3A_1196 : vector<512x9xi1>, vector<512x9xi32>
    %reduce_min3A_1198 = arith.constant dense<2147483647> : vector<512xi32>
    %reduce_min3A_1199 = vector.multi_reduction <minsi>, %select_n3A_1197, %reduce_min3A_1198 [1] : vector<512x9xi32> to vector<512xi32>
    %broadcast_in_dim3A_1200 = vector.shape_cast %reduce_min3A_1199 : vector<512xi32> to vector<512x1xi32>
    %convert_element_type3A_1201 = arith.sitofp %broadcast_in_dim3A_1200 : vector<512x1xi32> to vector<512x1xf32>
    %broadcast_in_dim3A_1202 = arith.constant 0.000000e+00 : f32
    %broadcast_in_dim3A_1203 = vector.broadcast %broadcast_in_dim3A_1202 : f32 to vector<512x6xf32>
    %concatenate3A_1204 = tpu.concatenate %add3A_1188, %convert_element_type3A_1201, %broadcast_in_dim3A_1203 in 1 : vector<512x9xf32>, vector<512x1xf32>, vector<512x6xf32> -> vector<512x16xf32>
    %concatenate3A_1205 = tpu.concatenate %concatenate3A_994, %concatenate3A_1024, %concatenate3A_1054, %concatenate3A_1084, %concatenate3A_1114, %concatenate3A_1144, %concatenate3A_1174, %concatenate3A_1204 in 1 : vector<512x16xf32>, vector<512x16xf32>, vector<512x16xf32>, vector<512x16xf32>, vector<512x16xf32>, vector<512x16xf32>, vector<512x16xf32>, vector<512x16xf32> -> vector<512x128xf32>
    %swap3A_1206 = arith.constant 2048 : index
    %swap3A_1207 = arith.constant 0 : index
    %swap3A_1208 = vector.load %arg7[%swap3A_1206, %swap3A_1207] : memref<2561x128xf32, #tpu.memory_space<vmem>>, vector<512x128xf32>
    tpu.vector_store %arg7[%swap3A_1206, %swap3A_1207], %concatenate3A_1205 {strides = array<i32>} : memref<2561x128xf32, #tpu.memory_space<vmem>>, vector<512x128xf32>,
    %iota3A_1209 = tpu.iota {dimensions = array<i32: 1>} : vector<1x9xi32>
    %reduce_max3A_1210 = arith.constant dense<0xFF800000> : vector<1xf32>
    %reduce_max3A_1211 = vector.multi_reduction <maximumf>, %get3A_6, %reduce_max3A_1210 [1] : vector<1x9xf32> to vector<1xf32>
    %broadcast_in_dim3A_1212 = vector.shape_cast %reduce_max3A_1211 : vector<1xf32> to vector<1x1xf32>
    %eq3A_1213 = vector.broadcast %broadcast_in_dim3A_1212 : vector<1x1xf32> to vector<1x9xf32>
    %eq3A_1214 = arith.cmpf oeq, %get3A_6, %eq3A_1213 : vector<1x9xf32>
    %jit3A_1215 = arith.constant 9 : i32
    %broadcast_in_dim3A_1216 = vector.broadcast %jit3A_1215 : i32 to vector<1x9xi32>
    %select_n3A_1217 = arith.select %eq3A_1214, %iota3A_1209, %broadcast_in_dim3A_1216 : vector<1x9xi1>, vector<1x9xi32>
    %reduce_min3A_1218 = arith.constant dense<2147483647> : vector<1xi32>
    %reduce_min3A_1219 = vector.multi_reduction <minsi>, %select_n3A_1217, %reduce_min3A_1218 [1] : vector<1x9xi32> to vector<1xi32>
    %broadcast_in_dim3A_1220 = vector.shape_cast %reduce_min3A_1219 : vector<1xi32> to vector<1x1xi32>
    %convert_element_type3A_1221 = arith.sitofp %broadcast_in_dim3A_1220 : vector<1x1xi32> to vector<1x1xf32>
    %broadcast_in_dim3A_1222 = arith.constant 0.000000e+00 : f32
    %broadcast_in_dim3A_1223 = vector.broadcast %broadcast_in_dim3A_1222 : f32 to vector<1x6xf32>
    %concatenate3A_1224 = tpu.concatenate %get3A_6, %convert_element_type3A_1221, %broadcast_in_dim3A_1223 in 1 : vector<1x9xf32>, vector<1x1xf32>, vector<1x6xf32> -> vector<1x16xf32>
    %concatenate3A_1225 = tpu.concatenate %concatenate3A_1224, %concatenate3A_1224, %concatenate3A_1224, %concatenate3A_1224, %concatenate3A_1224, %concatenate3A_1224, %concatenate3A_1224, %concatenate3A_1224 in 1 : vector<1x16xf32>, vector<1x16xf32>, vector<1x16xf32>, vector<1x16xf32>, vector<1x16xf32>, vector<1x16xf32>, vector<1x16xf32>, vector<1x16xf32> -> vector<1x128xf32>
    %swap3A_1226 = arith.constant 2560 : index
    %swap3A_1227 = arith.constant 0 : index
    %swap3A_1228 = vector.load %arg7[%swap3A_1226, %swap3A_1227] : memref<2561x128xf32, #tpu.memory_space<vmem>>, vector<1x128xf32>
    tpu.vector_store %arg7[%swap3A_1226, %swap3A_1227], %concatenate3A_1225 {strides = array<i32>} : memref<2561x128xf32, #tpu.memory_space<vmem>>, vector<1x128xf32>,
    %get3A_1229 = arith.constant 0 : index
    %get3A_1230 = arith.constant 0 : index
    %get3A_1231 = vector.load %arg4[%get3A_1229, %get3A_1230] : memref<4x5075xi32, #tpu.memory_space<vmem>>, vector<4x5075xi32>
    %get3A_1232 = arith.constant 0 : index
    %get3A_1233 = arith.constant 0 : index
    %get3A_1234 = vector.load %arg5[%get3A_1232, %get3A_1233] : memref<4x5075xi32, #tpu.memory_space<vmem>>, vector<4x5075xi32>
    %get3A_1235 = arith.constant 0 : index
    %get3A_1236 = arith.constant 0 : index
    %get3A_1237 = vector.load %arg6[%get3A_1235, %get3A_1236] : memref<4x5075xi32, #tpu.memory_space<vmem>>, vector<4x5075xi32>
    %get3A_1238 = arith.constant dense<0> : vector<4x5075xi32>
    %get3A_1239 = arith.cmpi ne, %get3A_1237, %get3A_1238 : vector<4x5075xi32>
    %sub3A = arith.subi %get3A_1234, %get3A_1231 : vector<4x5075xi32>
    %min3A = arith.constant 10 : i32
    %min3A_1240 = vector.broadcast %min3A : i32 to vector<4x5075xi32>
    %min3A_1241 = arith.minsi %sub3A, %min3A_1240 : vector<4x5075xi32>
    %max3A_1242 = arith.constant 1 : i32
    %max3A_1243 = vector.broadcast %max3A_1242 : i32 to vector<4x5075xi32>
    %max3A_1244 = arith.maxsi %min3A_1241, %max3A_1243 : vector<4x5075xi32>
    %sub3A_1245 = arith.constant 1 : i32
    %sub3A_1246 = vector.broadcast %sub3A_1245 : i32 to vector<4x5075xi32>
    %sub3A_1247 = arith.subi %max3A_1244, %sub3A_1246 : vector<4x5075xi32>
    %min3A_1248 = arith.constant 511 : i32
    %min3A_1249 = vector.broadcast %min3A_1248 : i32 to vector<4x5075xi32>
    %min3A_1250 = arith.minsi %get3A_1231, %min3A_1249 : vector<4x5075xi32>
    %max3A_1251 = arith.constant 0 : i32
    %max3A_1252 = vector.broadcast %max3A_1251 : i32 to vector<4x5075xi32>
    %max3A_1253 = arith.maxsi %min3A_1250, %max3A_1252 : vector<4x5075xi32>
    %iota3A_1254 = tpu.iota {dimensions = array<i32: 0>} : vector<4x5075xi32>
    %mul3A = arith.constant 10 : i32
    %mul3A_1255 = vector.broadcast %mul3A : i32 to vector<4x5075xi32>
    %mul3A_1256 = arith.muli %iota3A_1254, %mul3A_1255 : vector<4x5075xi32>
    %add3A_1257 = arith.addi %mul3A_1256, %sub3A_1247 : vector<4x5075xi32>
    %jit3A_1258 = arith.constant 8 : i32
    %div3A = vector.broadcast %jit3A_1258 : i32 to vector<4x5075xi32>
    %div3A_1259 = arith.divsi %add3A_1257, %div3A : vector<4x5075xi32>
    %sign3A = arith.constant 0 : i32
    %sign3A_1260 = vector.broadcast %sign3A : i32 to vector<4x5075xi32>
    %sign3A_1261 = arith.cmpi sgt, %add3A_1257, %sign3A_1260 : vector<4x5075xi32>
    %sign3A_1262 = arith.extui %sign3A_1261 : vector<4x5075xi1> to vector<4x5075xi32>
    %sign3A_1263 = arith.constant 0 : i32
    %sign3A_1264 = vector.broadcast %sign3A_1263 : i32 to vector<4x5075xi32>
    %sign3A_1265 = arith.cmpi slt, %add3A_1257, %sign3A_1264 : vector<4x5075xi32>
    %sign3A_1266 = arith.extui %sign3A_1265 : vector<4x5075xi1> to vector<4x5075xi32>
    %sign3A_1267 = arith.subi %sign3A_1262, %sign3A_1266 : vector<4x5075xi32>
    %sign3A_1268 = arith.constant 0 : i32
    %sign3A_1269 = arith.cmpi sgt, %jit3A_1258, %sign3A_1268 : i32
    %sign3A_1270 = arith.extui %sign3A_1269 : i1 to i32
    %sign3A_1271 = arith.constant 0 : i32
    %sign3A_1272 = arith.cmpi slt, %jit3A_1258, %sign3A_1271 : i32
    %sign3A_1273 = arith.extui %sign3A_1272 : i1 to i32
    %sign3A_1274 = arith.subi %sign3A_1270, %sign3A_1273 : i32
    %ne3A = vector.broadcast %sign3A_1274 : i32 to vector<4x5075xi32>
    %ne3A_1275 = arith.cmpi ne, %sign3A_1267, %ne3A : vector<4x5075xi32>
    %rem3A = vector.broadcast %jit3A_1258 : i32 to vector<4x5075xi32>
    %rem3A_1276 = arith.remsi %add3A_1257, %rem3A : vector<4x5075xi32>
    %ne3A_1277 = arith.constant 0 : i32
    %ne3A_1278 = vector.broadcast %ne3A_1277 : i32 to vector<4x5075xi32>
    %ne3A_1279 = arith.cmpi ne, %rem3A_1276, %ne3A_1278 : vector<4x5075xi32>
    %and3A = arith.andi %ne3A_1275, %ne3A_1279 : vector<4x5075xi1>
    %sub3A_1280 = arith.constant 1 : i32
    %sub3A_1281 = vector.broadcast %sub3A_1280 : i32 to vector<4x5075xi32>
    %sub3A_1282 = arith.subi %div3A_1259, %sub3A_1281 : vector<4x5075xi32>
    %select_n3A_1283 = arith.select %and3A, %sub3A_1282, %div3A_1259 : vector<4x5075xi1>, vector<4x5075xi32>
    %mul3A_1284 = arith.constant 512 : i32
    %mul3A_1285 = vector.broadcast %mul3A_1284 : i32 to vector<4x5075xi32>
    %mul3A_1286 = arith.muli %select_n3A_1283, %mul3A_1285 : vector<4x5075xi32>
    %add3A_1287 = arith.addi %mul3A_1286, %max3A_1253 : vector<4x5075xi32>
    %mul3A_1288 = arith.constant 8 : i32
    %mul3A_1289 = vector.broadcast %mul3A_1288 : i32 to vector<4x5075xi32>
    %mul3A_1290 = arith.muli %add3A_1287, %mul3A_1289 : vector<4x5075xi32>
    %jit3A_1291 = arith.constant 8 : i32
    %eq3A_1292 = arith.constant 0 : i32
    %eq3A_1293 = arith.cmpi eq, %jit3A_1291, %eq3A_1292 : i32
    %jit3A_1294 = arith.constant 1 : i32
    %select_n3A_1295 = arith.select %eq3A_1293, %jit3A_1294, %jit3A_1291 : i32
    %rem3A_1296 = vector.broadcast %select_n3A_1295 : i32 to vector<4x5075xi32>
    %rem3A_1297 = arith.remsi %add3A_1257, %rem3A_1296 : vector<4x5075xi32>
    %ne3A_1298 = arith.constant 0 : i32
    %ne3A_1299 = vector.broadcast %ne3A_1298 : i32 to vector<4x5075xi32>
    %ne3A_1300 = arith.cmpi ne, %rem3A_1297, %ne3A_1299 : vector<4x5075xi32>
    %lt3A = arith.constant 0 : i32
    %lt3A_1301 = vector.broadcast %lt3A : i32 to vector<4x5075xi32>
    %lt3A_1302 = arith.cmpi slt, %rem3A_1297, %lt3A_1301 : vector<4x5075xi32>
    %lt3A_1303 = arith.constant 0 : i32
    %lt3A_1304 = arith.cmpi slt, %select_n3A_1295, %lt3A_1303 : i32
    %ne3A_1305 = vector.broadcast %lt3A_1304 : i1 to vector<4x5075xi1>
    %ne3A_1306 = vector.broadcast %ne3A_1305 : vector<4x5075xi1> to vector<4x5075xi1>
    %ne3A_1307 = arith.xori %lt3A_1302, %ne3A_1306 : vector<4x5075xi1>
    %and3A_1308 = arith.andi %ne3A_1307, %ne3A_1300 : vector<4x5075xi1>
    %add3A_1309 = vector.broadcast %select_n3A_1295 : i32 to vector<4x5075xi32>
    %add3A_1310 = arith.addi %rem3A_1297, %add3A_1309 : vector<4x5075xi32>
    %select_n3A_1311 = arith.select %and3A_1308, %add3A_1310, %rem3A_1297 : vector<4x5075xi1>, vector<4x5075xi32>
    %add3A_1312 = arith.addi %mul3A_1290, %select_n3A_1311 : vector<4x5075xi32>
    %jit3A_1313 = arith.constant 20480 : i32
    %broadcast_in_dim3A_1314 = vector.broadcast %jit3A_1313 : i32 to vector<4x5075xi32>
    %select_n3A_1315 = arith.select %get3A_1239, %add3A_1312, %broadcast_in_dim3A_1314 : vector<4x5075xi1>, vector<4x5075xi32>
    %broadcast_in_dim3A_1316 = arith.constant 20480 : i32
    %broadcast_in_dim3A_1317 = vector.broadcast %broadcast_in_dim3A_1316 : i32 to vector<4x5120xi32>
    %swap3A_1318 = arith.constant 0 : index
    %swap3A_1319 = arith.constant 0 : index
    %swap3A_1320 = vector.load %arg8[%swap3A_1318, %swap3A_1319] : memref<4x5120xi32, #tpu.memory_space<vmem>>, vector<4x5120xi32>
    tpu.vector_store %arg8[%swap3A_1318, %swap3A_1319], %broadcast_in_dim3A_1317 {strides = array<i32>} : memref<4x5120xi32, #tpu.memory_space<vmem>>, vector<4x5120xi32>,
    %swap3A_1321 = arith.constant 0 : index
    %swap3A_1322 = arith.constant 0 : index
    %swap3A_1323 = vector.load %arg8[%swap3A_1321, %swap3A_1322] : memref<4x5120xi32, #tpu.memory_space<vmem>>, vector<4x5075xi32>
    tpu.vector_store %arg8[%swap3A_1321, %swap3A_1322], %select_n3A_1315 {strides = array<i32>} : memref<4x5120xi32, #tpu.memory_space<vmem>>, vector<4x5075xi32>,
    return
  }
}

</mosaic_0001>

<sc_bundles>
// kernel: kernel.4.cloned.1.call-start
scs
__scs_entry_jumppad:
0x0: {  	(pc) =	sbr.rel $0x88, $3  }
0x1: {  	(tag) =	ssettag $0x0;
	lr =	simm.s32 $0x1  }
0x2: {  	[smem:$0x3F9A] =	sst lr;
	_ =	strace $0xD0000000  }
0x3: {  	_ = 	snop  }
0x4: {  	_ = 	snop  }
0x5: {  	_ = 	snop  }
0x6: {  	_ = 	snop  }
0x7: {  	_ = 	snop  }
__scs_overlays_trampoline_lowered:
0x8: {  	[smem:$0x3FA9] =	sst s0  }
0x9: {  	[smem:$0x3FAA] =	sst s1  }
0xa: {  	[smem:$0x3FAB] =	sst s2  }
0xb: {  	[smem:$0x3FAC] =	sst s3  }
0xc: {  	[smem:$0x3FAD] =	sst s4  }
0xd: {  	[smem:$0x3FAE] =	sst s5  }
0xe: {  	[smem:$0x3FAF] =	sst s6  }
0xf: {  	[smem:$0x3FB0] =	sst s7  }
0x10: {  	[smem:$0x3FB1] =	sst s8  }
0x11: {  	[smem:$0x3FB2] =	sst s9;
	s0 =	simm.s32 @!p0 $0x0  }
0x12: {  	s1 =	sld [smem:$0x3F98];
	s0 =	simm.s32 @p0 $0x1  }
0x13: {  	[smem:$0x3FB3] =	sst s0;
	s0 =	simm.s32 @!p1 $0x0  }
0x14: {  	s2 =	sld [smem:$0x3F97];
	s0 =	simm.s32 @p1 $0x1  }
0x15: {  	[smem:$0x3FB4] =	sst s0;
	s0 =	simm.s32 @!p2 $0x0  }
0x16: {  	s3 =	sld [smem:$0x3FDB];
	s0 =	simm.s32 @p2 $0x1  }
0x17: {  	s4 =	simm.s32 $0x1BF5;
	[smem:$0x3FB6] =	sst s0  }
0x18: {  	s0 =	sld [smem:$0x3F99];
	_ =	swait.ge [sflag:s4], $0x0  }
0x19: {  	s7 =	sld [smem:$0x3F9A]  }
0x1a: {  	s8 =	sadd.s32 $0xFFFFE003, lr  }
0x1b: {  	s9 =	sadd.s32 $0xFFFFFEF7, lr;
	s5 =	simm.s32 $0xFFFFFFFF;
	p2 =	slt.u32 s8, $0xFFFFF086  }
0x1c: {  	p1 =	slt.u32 s9, $0xF7A;
	s5 =	simm.s32 @!p2 $0x0  }
0x1d: {  	s5 =	simm.s32 @p1 $0x1;
	p0 =	seq.s32 s7, s2  }
0x1e: {  	s7 =	smul.u32 @!p0 $0xF7A, s2;
	p2 =	seq.s32 @!p0 s5, $0x0  }
0x1f: {  	s9 =	smul.u32 $0xF7A, s1;
	s8 =	simm.s32 @!p0 $0x1BF5;
	p2 =	por !p2, p0  }
0x20: {  	[sflag:s8] =	ssyncset.s32 @!p0 $0xFFFFF086;
	s6 =	sadd.s32 @!p0 s3, s7;
	s7 =	simm.s32 @!p0 $0x108  }
0x21: {  	s3 =	sadd.s32 s3, s9;
	s6 =	sadd.s32 @!p0 $0x88, s6;
	s7 =	simm.s32 @p2 $0x1082  }
0x22: {  	[simem:s7], [sflag:s8] =	dma.local @!p0 [hbm:s6], $0xF7A  }
0x23: {  	s9 =	sor.u32 $0xD0000000, s2;
	s6 =	simm.s32 $0x108;
	_ =	swait.ge @!p0 [sflag:s8], $0x0  }
0x24: {  	s3 =	sadd.s32 $0x88, s3;
	s6 =	simm.s32 @!p1 $0x1082;
	[sflag:s4] =	ssyncset.s32 $0xFFFFF086  }
0x25: {  	[simem:s6], [sflag:s4] =	dma.local [hbm:s3], $0xF7A  }
0x26: {  	[smem:$0x3F9A] =	sst s1;
	(tag) =	ssettag s2;
	_ =	strace s9  }
0x27: {  	s1 =	sld [smem:$0x3FAA]  }
0x28: {  	s2 =	sld [smem:$0x3FAB]  }
0x29: {  	s4 =	sld [smem:$0x3FAD]  }
0x2a: {  	p0 =	seq.s32 s5, $0x0;
	s5 =	sld [smem:$0x3FAE]  }
0x2b: {  	s6 =	sld [smem:$0x3FAF]  }
0x2c: {  	s7 =	sld [smem:$0x3FB0]  }
0x2d: {  	s3 =	simm.s32 $0x108;
	s8 =	sld [smem:$0x3FB1]  }
0x2e: {  	s3 =	simm.s32 @!p0 $0x1082;
	s9 =	sld [smem:$0x3FB2]  }
0x2f: {  	lr =	sadd.s32 s0, s3;
	s0 =	sld [smem:$0x3FA9]  }
0x30: {  	s3 =	sld [smem:$0x3FAC]  }
0x31: {  	[smem:$0x3FB5] =	sst s10  }
0x32: {  	s10 =	sld [smem:$0x3FB3];
	_ =	sdelay $0x3  }
0x33: {  	p0 =	seq.s32 s10, $0x1;
	s10 =	sld [smem:$0x3FB5];
	_ =	sdelay $0x3  }
0x34: {  	[smem:$0x3FB5] =	sst s10  }
0x35: {  	s10 =	sld [smem:$0x3FB4];
	_ =	sdelay $0x3  }
0x36: {  	p1 =	seq.s32 s10, $0x1;
	s10 =	sld [smem:$0x3FB5];
	_ =	sdelay $0x3  }
0x37: {  	[smem:$0x3FB5] =	sst s10  }
0x38: {  	s10 =	sld [smem:$0x3FB6]  }
0x39: {  	_ = 	snop;
	(pc) =	sbr.ind lr, $3  }
0x3a: {  	_ = 	snop  }
0x3b: {  	_ = 	snop  }
0x3c: {  	p2 =	seq.s32 s10, $0x1;
	s10 =	sld [smem:$0x3FB5]  }
0x3d: {  	_ =	shalt  }
0x3e: {  	_ =	shalt  }
0x3f: {  	_ =	shalt  }
0x40: {  	_ =	shalt  }
0x41: {  	_ =	shalt  }
0x42: {  	_ =	shalt  }
0x43: {  	_ =	shalt  }
0x44: {  	_ =	shalt  }
0x45: {  	_ =	shalt  }
0x46: {  	_ =	shalt  }
0x47: {  	_ =	shalt  }
0x48: {  	_ =	shalt  }
0x49: {  	_ =	shalt  }
0x4a: {  	_ =	shalt  }
0x4b: {  	_ =	shalt  }
0x4c: {  	_ =	shalt  }
0x4d: {  	_ =	shalt  }
0x4e: {  	_ =	shalt  }
0x4f: {  	_ =	shalt  }
0x50: {  	_ =	shalt  }
0x51: {  	_ =	shalt  }
0x52: {  	_ =	shalt  }
0x53: {  	_ =	shalt  }
0x54: {  	_ =	shalt  }
0x55: {  	_ =	shalt  }
0x56: {  	_ =	shalt  }
0x57: {  	_ =	shalt  }
0x58: {  	_ =	shalt  }
0x59: {  	_ =	shalt  }
0x5a: {  	_ =	shalt  }
0x5b: {  	_ =	shalt  }
0x5c: {  	_ =	shalt  }
0x5d: {  	_ =	shalt  }
0x5e: {  	_ =	shalt  }
0x5f: {  	_ =	shalt  }
0x60: {  	_ =	shalt  }
0x61: {  	_ =	shalt  }
0x62: {  	_ =	shalt  }
0x63: {  	_ =	shalt  }
0x64: {  	_ =	shalt  }
0x65: {  	_ =	shalt  }
0x66: {  	_ =	shalt  }
0x67: {  	_ =	shalt  }
0x68: {  	_ =	shalt  }
0x69: {  	_ =	shalt  }
0x6a: {  	_ =	shalt  }
0x6b: {  	_ =	shalt  }
0x6c: {  	_ =	shalt  }
0x6d: {  	_ =	shalt  }
0x6e: {  	_ =	shalt  }
0x6f: {  	_ =	shalt  }
0x70: {  	_ =	shalt  }
0x71: {  	_ =	shalt  }
0x72: {  	_ =	shalt  }
0x73: {  	_ =	shalt  }
0x74: {  	_ =	shalt  }
0x75: {  	_ =	shalt  }
0x76: {  	_ =	shalt  }
0x77: {  	_ =	shalt  }
0x78: {  	_ =	shalt  }
0x79: {  	_ =	shalt  }
0x7a: {  	_ =	shalt  }
0x7b: {  	_ =	shalt  }
0x7c: {  	_ =	shalt  }
0x7d: {  	_ =	shalt  }
0x7e: {  	_ =	shalt  }
0x7f: {  	_ =	shalt  }
0x80: {  	_ =	shalt  }
0x81: {  	_ =	shalt  }
0x82: {  	_ =	shalt  }
0x83: {  	_ =	shalt  }
0x84: {  	_ =	shalt  }
0x85: {  	_ =	shalt  }
0x86: {  	_ =	shalt  }
0x87: {  	_ =	shalt  }
.Lfunc_end0:
.L_simem_size_0:
called_computation_lowered:
.L_overlay_start_0:
0x88: {  	s2 =	sld [smem:$0x3FD9]  }
0x89: {  	s3 =	sld [smem:$0x3FFE];
	_ =	sdelay $0x1  }
0x8a: {  	s1 =	srdreg.scid  }
0x8b: {  	s0 =	sand.u32 $0x1, s1  }
0x8c: {  	s14 =	sshll.u32 s0, $0xA;
	s2 =	sadd.s32 s3, s2  }
0x8d: {  	s2 =	sadd.s32 s2, s14  }
0x8e: {  	[smem:$0x3FC1] =	sst s2  }
0x8f: {  	_ = 	snop  }
0x90: {  	s2 =	sld [smem:$0x3FD0];
	_ =	sdelay $0x2  }
0x91: {  	s15 =	simm.s32 $0xA;
	s4 =	simm.s32 $0x10  }
0x92: {  	[smem:s4], [sflag:s15] =	dma.local [hbm:s2], $0x1  }
0x93: {  	_ =	swait.eq [sflag:s15], $0x1  }
0x94: {  	[sflag:s15] =	ssyncset.done $0x0  }
0x95: {  	s16 =	sld [smem:$0x10];
	[sflag:s15] =	ssyncadd.s32 $0xFFFFFFFF  }
0x96: {  	s17 =	sld [smem:$0x11];
	(tm) =	ssettm $0x1  }
0x97: {  	s18 =	sld [smem:$0x3FFB];
	_ =	sdelay $0x3  }
0x98: {  	_ =	strace s18  }
0x99: {  	s4 =	sld [smem:$0x3FFC];
	_ =	sdelay $0x3  }
0x9a: {  	_ =	strace s4  }
0x9b: {  	s4 =	sld [smem:$0x3FFD];
	_ =	sdelay $0x3  }
0x9c: {  	_ =	strace s4  }
0x9d: {  	_ =	strace $0x8FFFFFFF  }
0x9e: {  	s19 =	sld [smem:$0x3FDB];
	_ =	sdelay $0x1  }
0x9f: {  	s5 =	simm.s32 $_scs_section_size  }
0xa0: {  	s6 =	simm.s32 $_size__tile_overlayer_lowered;
	s7 =	simm.s32 $_tile_overlayer_lowered  }
0xa1: {  	s22 =	simm.s32 $0x1BFF;
	s21 =	sshll.u32 s7, $0x1;
	s4 =	sadd.s32 s5, s19  }
0xa2: {  	s8 =	simm.s32 $0x0;
	s20 =	sshll.u32 s6, $0x1;
	s6 =	sadd.s32 s21, s4  }
0xa3: {  	[timem:s8], [sflag:s22] =	dma.local [hbm:s6], s20  }
0xa4: {  	_ =	swait.ge [sflag:s22], s20  }
0xa5: {  	s5 =	ssub.s32 $0x0, s20;
	[sflag:s22] =	ssyncset.done $0x0  }
0xa6: {  	[sflag:s22] =	ssyncadd.s32 s5;
	_ =	sdelay $0x1  }
0xa7: {  	s23 =	simm.s32 $0x1B8B  }
0xa8: {  	_ =	swait.ge [sflag:s23], $0x1  }
0xa9: {  	[sflag:s23] =	ssyncset.done $0x0  }
0xaa: {  	s25 =	simm.s32 $0x1B8E;
	s24 =	sld [smem:$0x3FFE];
	[sflag:s23] =	ssyncadd.s32 $0xFFFFFFFF  }
0xab: {  	s26 =	simm.s32 $execute0_lowered;
	[smem:$0x3FD2] =	sst s25  }
0xac: {  	s6 =	sshll.u32 s26, $0x1;
	_ =	strace $0x80000046;
	[dreg:$0x1] =	wrdreg $0xFFFFFFFF  }
0xad: {  	s28 =	simm.s32 $_size_execute0_lowered;
	s4 =	sadd.s32 s4, s6;
	[dreg:$0x0] =	wrdreg $0x0  }
0xae: {  	s6 =	sshll.u32 s28, $0x1;
	[dreg:$0x2] =	wrdreg s4  }
0xaf: {  	[dreg:$0x3] =	wrdreg s6  }
0xb0: {  	[dreg:$0x4] =	wrdreg $0xC0  }
0xb1: {  	_ =	task [dreg:s8], $0x5FFFF  }
0xb2: {  	[dreg:$0x1] =	wrdreg $0xFFFFFFFF  }
0xb3: {  	[dreg:$0x0] =	wrdreg $0x60  }
0xb4: {  	[dreg:$0x2] =	wrdreg s24  }
0xb5: {  	[dreg:$0x3] =	wrdreg s17  }
0xb6: {  	[dreg:$0x4] =	wrdreg s16  }
0xb7: {  	[dreg:$0x5] =	wrdreg $0x9  }
0xb8: {  	_ =	task.clear_ibuf [dreg:s8], $0x6FFFF;
	_ =	strace $0x90000046  }
0xb9: {  	s29 =	simm.s32 $0x9;
	_ =	strace $0x80000048  }
0xba: {  	_ =	swait.ge [sflag:s29], $0x1  }
0xbb: {  	[sflag:s29] =	ssyncadd.s32 $0xFFFFFFFF  }
0xbc: {  	_ =	strace $0x90000048  }
0xbd: {  	_ =	sfence  }
0xbe: {  	s30 =	sld [smem:$0x0];
	_ =	sdelay $0x2  }
0xbf: {  	s31 =	sshll.u32 s1, $0xD;
	s1 =	sshrl.u32 s1, $0x2  }
0xc0: {  	s3 =	sand.u32 $0x4000, s31;
	s1 =	sadd.s32 s1, s30  }
0xc1: {  	s0 =	sor.u32 s3, s0;
	s1 =	sshll.u32 s1, $0x11  }
0xc2: {  	s0 =	sor.u32 s1, s0  }
0xc3: {  	s0 =	sadd.s32 $0x8F2B, s0  }
0xc4: {  	[sflag:s0] =	ssyncadd.remote.s32 $0x1  }
0xc5: {  	_ =	sfence.sel $0xFFFF  }
0xc6: {  	[dreg:$0x0] =	wrdreg $0xFFFFFFFF;
	(pc) =	sbr.abs _section_cstart, $3  }
0xc7: {  	[dreg:$0x1] =	wrdreg $0xFFFFFFFF  }
0xc8: {  	_ =	task.clear_ibuf [dreg:s8], $0x2FFFF;
	_ =	strace $0x9FFFFFFF  }
0xc9: {  	(tm) =	ssettm $0x7FFFFFFF  }
tec
execute0_lowered:
.L_overlay_start_1:
0x0: {  	(tag) =	ssettag $0x1  }
0x1: {  	s4 =	rddreg [dreg:$0x0]  }
0x2: {  	s0 =	stileid.u32;
	s6 =	rddreg [dreg:$0x1]  }
0x3: {  	s1 =	srdreg.scid;
	s9 =	rddreg [dreg:$0x2]  }
0x4: {  	s12 =	simm.s32 $0x100;
	s13 =	simm.s32 $0x1280;
	s14 =	simm.s32 $0x180  }
0x5: {  	s15 =	simm.s32 $0x1A80;
	s16 =	simm.s32 $0x200;
	s17 =	simm.s32 $0x2280  }
0x6: {  	s18 =	simm.s32 $0x1;
	s19 =	simm.s32 $0x2A80;
	s20 =	simm.s32 $0x0  }
0x7: {  	s2 =	sshll.u32 s0, $0x1;
	s5 =	sand.u32 $0x1, s1;
	s3 =	sshrl.u32 s0, $0x2  }
0x8: {  	s1 =	rddreg [dreg:$0x3];
	s29 =	sand.u32 $0x6, s2;
	s8 =	smul.u32 $0x14000, s3  }
0x9: {  	s2 =	simm.s32 $0x0;
	s11 =	smul.u32 $0x1400, s3;
	s7 =	sor.u32 s5, s29  }
0xa: {  	s3 =	sadd.s32 $0x1600, s4;
	s5 =	ssub.s32 $0x2, s5;
	s10 =	smul.u32 $0x2800, s7  }
0xb: {  	[smem:$0x7FF] =	sst s2;
	s7 =	smul.u32 $0x280, s7;
	s30 =	sshrl.u32 s5, $0x1  }
0xc: {  	_ =	strace $0x80000047;
	s31 =	ssub.s32 s5, s30;
	s8 =	sadd.s32 s8, s10  }
0xd: {  	s7 =	sadd.s32 s11, s7;
	s10 =	simm.s32 $0x280;
	s8 =	sshrl.u32 s8, $0x3  }
0xe: {  	s11 =	simm.s32 $0xA80;
	s7 =	sshrl.u32 s7, $0x3;
	s8 =	sadd.s32 s8, s4  }
0xf: {  	v0 =	vlaneseq.u32;
	s4 =	sadd.s32 s6, s7;
	s6 =	sadd.s32 s9, s7;
	s7 =	smax.u32 s31, $0x1  }
0x10: {  	v0 =	vmul.u32 $0x10, v0;
	s9 =	simm.s32 $0x80;
	s5 =	sadd.s32 $0xB800, s8;
	s8 =	simm.s32 $0x2  }
.LBB2_1:
0x11: {  	[tilespmem:s2], [sflag:$0x2] =	stream.linear.gather [hbm4b:s4+s2], $0x280, $0x38;
	[tilespmem:$0x2D00] =	vst v63  }
0x12: {  	_ =	swait.ge [sflag:s8], $0x280  }
0x13: {  	[sflag:s8] =	ssyncset.done $0x0  }
0x14: {  	[sflag:s8] =	ssyncadd.s32 $0xFFFFFD80  }
0x15: {  	[tilespmem:s10], [sflag:$0x1] =	stream.indirect.gather [hbm4b:s3+s9], $0x10, s2, s9, $0xb8;
	[tilespmem:$0x2D00] =	vst v63  }
0x16: {  	_ = 	snop  }
0x17: {  	[tilespmem:s11], [sflag:$0x1] =	stream.indirect.gather [hbm4b:s3+s9], $0x10, s9, s9, $0xb8;
	[tilespmem:$0x2D00] =	vst v63  }
0x18: {  	_ = 	snop  }
0x19: {  	[tilespmem:s13], [sflag:$0x1] =	stream.indirect.gather [hbm4b:s3+s9], $0x10, s12, s9, $0xb8;
	[tilespmem:$0x2D00] =	vst v63  }
0x1a: {  	_ = 	snop  }
0x1b: {  	[tilespmem:s15], [sflag:$0x1] =	stream.indirect.gather [hbm4b:s3+s9], $0x10, s14, s9, $0xb8;
	[tilespmem:$0x2D00] =	vst v63  }
0x1c: {  	_ = 	snop  }
0x1d: {  	[tilespmem:s17], [sflag:$0x1] =	stream.indirect.gather [hbm4b:s3+s9], $0x10, s16, s9, $0xb8;
	[tilespmem:$0x2D00] =	vst v63  }
0x1e: {  	_ =	swait.ge [sflag:s18], $0x800  }
0x1f: {  	[sflag:s18] =	ssyncset.done $0x0  }
0x20: {  	[sflag:s18] =	ssyncadd.s32 $0xFFFFF800  }
0x21: {  	_ =	swait.ge [sflag:s18], $0x800  }
0x22: {  	[sflag:s18] =	ssyncset.done $0x0  }
0x23: {  	[sflag:s18] =	ssyncadd.s32 $0xFFFFF800  }
0x24: {  	_ =	swait.ge [sflag:s18], $0x800  }
0x25: {  	v1 =	vmov s2;
	[sflag:s18] =	ssyncset.done $0x0  }
0x26: {  	v1 =	vshll.u32 v1, $0x4;
	[sflag:s18] =	ssyncadd.s32 $0xFFFFF800  }
0x27: {  	v1 =	vor.u32 v0, v1;
	_ =	swait.ge [sflag:s18], $0x800  }
0x28: {  	v1 =	vor.u32 $0x9, v1;
	[sflag:s18] =	ssyncset.done $0x0  }
0x29: {  	[sflag:s18] =	ssyncadd.s32 $0xFFFFF800  }
0x2a: {  	_ =	swait.ge [sflag:s18], $0x800  }
0x2b: {  	[sflag:s18] =	ssyncset.done $0x0  }
0x2c: {  	[sflag:s18] =	ssyncadd.s32 $0xFFFFF800  }
0x2d: {  	s21 =	simm.s32 $0x10;
	v1 =	vld.idx.msk [tilespmem:v1+s10+$0x0], $0xffff  }
0x2e: {  	v2 =	vmov s21  }
0x2f: {  	v2 =	vshll.u32 v2, $0x4  }
0x30: {  	v2 =	vor.u32 v0, v2  }
0x31: {  	v2 =	vor.u32 $0x9, v2  }
0x32: {  	v1 =	vtrunc.f32 v1  }
0x33: {  	v1 =	vcvt.f32.s32 v1;
	_ =	sdelay $0x1  }
0x34: {  	[tilespmem:s19+$0x0] =	vst v1  }
0x35: {  	s31 =	simm.s32 $0x20;
	v1 =	vld.idx.msk [tilespmem:v2+s10+$0x0], $0xffff  }
0x36: {  	s22 =	simm.s32 $0x30;
	s21 =	simm.s32 $0x2A80;
	v2 =	vmov s31  }
.LBB2_2:
0x37: {  	p0 =	sne.s32 s22, $0x270;
	v2 =	vshll.u32 v2, $0x4  }
0x38: {  	v2 =	vor.u32 v0, v2  }
0x39: {  	v2 =	vor.u32 $0x9, v2  }
0x3a: {  	v1 =	vtrunc.f32 v1  }
0x3b: {  	v1 =	vcvt.f32.s32 v1  }
.Ltmp0:
0x3c: {  	s21 =	sadd.s32 $0x10, s21;
	(pc) =	sbr.rel @p0 .LBB2_2-.Ltmp0, $3  }
0x3d: {  	[tilespmem:s21+$0x0] =	vst v1  }
0x3e: {  	v1 =	vld.idx.msk [tilespmem:v2+s10+$0x0], $0xffff;
	_ =	sdelay $0x1  }
0x3f: {  	v2 =	vmov s22;
	s22 =	sadd.s32 $0x10, s22  }
0x40: {  	v2 =	vshll.u32 v2, $0x4  }
0x41: {  	v2 =	vor.u32 v0, v2  }
0x42: {  	v2 =	vor.u32 $0x9, v2  }
0x43: {  	v1 =	vtrunc.f32 v1  }
0x44: {  	v1 =	vcvt.f32.s32 v1  }
0x45: {  	s21 =	sadd.s32 $0x10, s21  }
0x46: {  	[tilespmem:s21+$0x0] =	vst v1  }
0x47: {  	v1 =	vld.idx.msk [tilespmem:v2+s10+$0x0], $0xffff;
	_ =	sdelay $0x4  }
0x48: {  	v1 =	vtrunc.f32 v1  }
0x49: {  	v1 =	vcvt.f32.s32 v1  }
0x4a: {  	s21 =	sadd.s32 $0x10, s21  }
0x4b: {  	[tilespmem:s21+$0x0] =	vst v1  }
0x4c: {  	[hbm4b:s5+s2] =	stream.linear.scatter [tilespmem:s10], [sflag:$0x2], $0x2800, $0x38;
	[tilespmem:$0x2D00] =	vst v63  }
0x4d: {  	s20 =	sadd.s32 $0x1, s20;
	_ =	swait.ge [sflag:s8], $0x2800  }
0x4e: {  	p0 =	sne.s32 s20, s7;
	[sflag:s8] =	ssyncset.done $0x0  }
.Ltmp1:
0x4f: {  	[sflag:s8] =	ssyncadd.s32 $0xFFFFD800;
	(pc) =	sbr.rel @p0 .LBB2_1-.Ltmp1, $4  }
0x50: {  	[hbm4b:s6+s2] =	stream.linear.scatter [tilespmem:s19], [sflag:$0x2], $0x280, $0x38;
	[tilespmem:$0x2D00] =	vst v63  }
0x51: {  	_ =	swait.ge [sflag:s8], $0x280  }
0x52: {  	[sflag:s8] =	ssyncset.done $0x0  }
0x53: {  	[sflag:s8] =	ssyncadd.s32 $0xFFFFFD80  }
0x54: {  	_ =	sfence.sel $0x180000  }
0x55: {  	[bflag:$0x0] =	sbarrier.arrive $0xFFFF  }
0x56: {  	p0 =	sne.s32 s0, $0x0;
	_ =	strace $0x90000047  }
0x57: {  	s0 =	sadd.s32 @!p0 $0x100000, s1;
	[bflag:$0x2] =	sbarrier.arrive $0xFFFF  }
0x58: {  	[sflag:s0] =	ssyncadd.tile.s32 @!p0 $0x1;
	_ =	shalt  }
.Lfunc_end2:
_tile_overlayer_lowered:
.L_overlay_start_2:
0x59: {  	(tag) =	ssettag $0x2  }
0x5a: {  	s0 =	rddreg [dreg:$0x0];
	s2 =	stileid.u32  }
0x5b: {  	s1 =	rddreg [dreg:$0x1];
	p0 =	sne.s32 s2, $0x0  }
0x5c: {  	s3 =	rddreg [dreg:$0x2];
	[bflag:$0x3] =	sbarrier.arrive $0xFFFF;
	s2 =	simm.s32 @!p0 $0x1C02  }
0x5d: {  	[timem:s3], [sflag:s2] =	dma.local @!p0 [hbm:s0], s1  }
0x5e: {  	s0 =	simm.s32 @!p0 $0x2  }
0x5f: {  	_ =	swait.ge @!p0 [sflag:s0], s1  }
0x60: {  	s1 =	ssub.s32 @!p0 $0x0, s1;
	[sflag:s0] =	ssyncset.done @!p0 $0x0  }
0x61: {  	[sflag:s0] =	ssyncadd.s32 @!p0 s1  }
0x62: {  	[bflag:$0x3] =	sbarrier.arrive $0xFFFF  }
0x63: {  	_ =	shalt  }

</sc_bundles>
